<compile_context>
chip_gen: v7x
topology: tpu7x:2x2x1
jax: 0.10.2.dev20260603
libtpu: 0.0.44.dev20260713+nightly
codegen_flags: <defaults>
</compile_context>

<pallas_src>
import functools

import jax
import jax.numpy as jnp
from jax import lax
from jax.experimental import pallas as pl
from jax.experimental.pallas import tpu as pltpu
from jax.experimental.pallas import tpu_sc as plsc

_NBUF = 4


def _make_sc_gather_pe(batch, seq, hidden, n_workers, nc):
    rows_per_w = batch // n_workers
    n_chunks = rows_per_w
    assert n_chunks % _NBUF == 0

    mesh = plsc.VectorSubcoreMesh(core_axis_name="c", subcore_axis_name="s")

    @functools.partial(
        pl.kernel,
        out_type=jax.ShapeDtypeStruct((batch, seq, hidden), jnp.float32),
        mesh=mesh,
        compiler_params=pltpu.CompilerParams(use_tc_tiling_on_sc=False),
        scratch_types=[
            pltpu.VMEM((seq, hidden), jnp.float32),
            tuple(pltpu.VMEM((seq,), jnp.int32) for _ in range(_NBUF)),
            tuple(pltpu.VMEM((seq, hidden), jnp.float32) for _ in range(_NBUF)),
            tuple(pltpu.SemaphoreType.DMA for _ in range(_NBUF)),
            tuple(pltpu.SemaphoreType.DMA for _ in range(_NBUF)),
            tuple(pltpu.SemaphoreType.DMA for _ in range(_NBUF)),
        ],
    )
    def gather_pe(table, x, pe, out, pe_v, idxs, rows, isems, gsems, ssems):
        wid = lax.axis_index("s") * nc + lax.axis_index("c")
        base = wid * rows_per_w

        pltpu.sync_copy(pe, pe_v)

        def idx_copy(g, b):
            pltpu.async_copy(x.at[base + g], idxs[b], isems[b])

        def idx_wait(b):
            pltpu.make_async_copy(x.at[0], idxs[b], isems[b]).wait()

        def prefill(b):
            @plsc.parallel_loop(0, seq, unroll=8)
            def _(p):
                for c in range(hidden // 16):
                    sl = pl.ds(c * 16, 16)
                    rows[b][p, sl] = pe_v[p, sl]

        def gather_add(b):
            pltpu.async_copy(table.at[idxs[b]], rows[b], gsems[b], add=True)

        def gather_wait(b):
            pltpu.make_async_copy(table.at[pl.ds(0, seq)],
                                  rows[b], gsems[b]).wait()

        def store(g, b):
            pltpu.async_copy(rows[b], out.at[base + g], ssems[b])

        def store_wait(b):
            pltpu.make_async_copy(rows[b], out.at[0], ssems[b]).wait()

        def prep(g, b, drain_store):
            if drain_store:
                @pl.when(g >= _NBUF)
                def _():
                    store_wait(b)
            prefill(b)
            idx_wait(b)
            gather_add(b)

        for b in range(_NBUF):
            idx_copy(b, b)
        for g in range(_NBUF - 1):
            prep(g, g, drain_store=False)

        def ring_step(i, _):
            for b in range(_NBUF):
                g = _NBUF * i + b
                gp = g + _NBUF - 1

                pb = (b + _NBUF - 1) % _NBUF

                @pl.when(gp < n_chunks)
                def _():
                    prep(gp, pb, drain_store=True)

                gather_wait(b)

                @pl.when(g + _NBUF < n_chunks)
                def _():
                    idx_copy(g + _NBUF, b)

                store(g, b)
            return 0

        lax.fori_loop(0, n_chunks // _NBUF, ring_step, 0)
        for b in range(_NBUF):
            store_wait(b)

    return gather_pe


def kernel(x, table, pe):
    batch, seq = x.shape
    _, hidden = table.shape

    n_workers = 32
    nc = 2

    fn = _make_sc_gather_pe(batch, seq, hidden, n_workers, nc)
    return fn(table, x.astype(jnp.int32), pe[0, :seq, :])

# --- scband reference (transcript-rebuilt; emitter-appended) ---
"""Pipeline reference for scband-position-embedding-60138132079206 (READ-ONLY COPY).

The authoritative reference and input builder live on the scoring server;
editing this copy changes nothing except your own understanding.
"""

import jax, jax.numpy as jnp
import numpy as np

MAX_LEN = 200
NUM_HIDDENS = 64
VOCAB_SIZE = 1000000
BATCH = 4096
NUM_STEPS = 200


def _make_pe(max_len, num_hiddens):
    pos = np.expand_dims(np.arange(max_len), 1).astype(np.float64)
    pe = pos / np.power(1000.0, 2 * np.expand_dims(np.arange(num_hiddens) // 2, 0) / num_hiddens)
    pe[:, 0::2] = np.sin(pe[:, 0::2])
    pe[:, 1::2] = np.cos(pe[:, 1::2])
    pe = np.expand_dims(pe, 0)
    return jnp.asarray(pe, dtype=jnp.float32)


def setup_inputs(seed: int = 0) -> dict:
    key = jax.random.key(seed)
    k_x, k_w = jax.random.split(key)
    x = jax.random.randint(k_x, (BATCH, NUM_STEPS), 0, VOCAB_SIZE, dtype=jnp.int64 if jax.config.read('jax_enable_x64') else jnp.int32)
    table = jax.random.normal(k_w, (VOCAB_SIZE, NUM_HIDDENS), dtype=jnp.float32) * 0.1
    pe = _make_pe(MAX_LEN, NUM_HIDDENS)
    return {"x": x, "table": table, "pe": pe}


def reference(x, table, pe):
    # Embedding lookup (gather) + additive sinusoidal position encoding
    x_embed = jnp.take(table, x, axis=0)  # [B, S, H]
    x_embed = x_embed + pe[:, : x.shape[1], :]
    return x_embed

if __name__ == "__main__":
    import jax
    _d = setup_inputs()
    print(jax.jit(kernel)(*tuple(_d.values())))

</pallas_src>

<mosaic_0001>
#map = affine_map<(d0, d1) -> (0, 0)>
#map1 = affine_map<(d0, d1) -> (0, 0, 0)>
module attributes {stable_mosaic.version = 14 : i64} {
  func.func @gather_pe(%arg0: i32, %arg1: i32, %arg2: memref<1000000x64xf32, #tpu.memory_space<hbm>>, %arg3: memref<4096x200xi32, #tpu.memory_space<hbm>>, %arg4: memref<200x64xf32, #tpu.memory_space<hbm>>, %arg5: memref<4096x200x64xf32, #tpu.memory_space<hbm>>, %arg6: memref<200x64xf32, #tpu.memory_space<vmem>>, %arg7: memref<200xi32, #tpu.memory_space<vmem>>, %arg8: memref<200xi32, #tpu.memory_space<vmem>>, %arg9: memref<200xi32, #tpu.memory_space<vmem>>, %arg10: memref<200xi32, #tpu.memory_space<vmem>>, %arg11: memref<200x64xf32, #tpu.memory_space<vmem>>, %arg12: memref<200x64xf32, #tpu.memory_space<vmem>>, %arg13: memref<200x64xf32, #tpu.memory_space<vmem>>, %arg14: memref<200x64xf32, #tpu.memory_space<vmem>>, %arg15: memref<!tpu.dma_semaphore, #tpu.memory_space<semaphore_mem>>, %arg16: memref<!tpu.dma_semaphore, #tpu.memory_space<semaphore_mem>>, %arg17: memref<!tpu.dma_semaphore, #tpu.memory_space<semaphore_mem>>, %arg18: memref<!tpu.dma_semaphore, #tpu.memory_space<semaphore_mem>>, %arg19: memref<!tpu.dma_semaphore, #tpu.memory_space<semaphore_mem>>, %arg20: memref<!tpu.dma_semaphore, #tpu.memory_space<semaphore_mem>>, %arg21: memref<!tpu.dma_semaphore, #tpu.memory_space<semaphore_mem>>, %arg22: memref<!tpu.dma_semaphore, #tpu.memory_space<semaphore_mem>>, %arg23: memref<!tpu.dma_semaphore, #tpu.memory_space<semaphore_mem>>, %arg24: memref<!tpu.dma_semaphore, #tpu.memory_space<semaphore_mem>>, %arg25: memref<!tpu.dma_semaphore, #tpu.memory_space<semaphore_mem>>, %arg26: memref<!tpu.dma_semaphore, #tpu.memory_space<semaphore_mem>>) attributes {dimension_semantics = [#tpu.dimension_semantics<core_parallel>, #tpu.dimension_semantics<subcore_parallel>], iteration_bounds = array<i64: 2, 16>, scalar_prefetch = 0 : i64, scratch_operands = 21 : i64, tpu.core_type = #tpu.core_type<sc_vector_subcore>, window_params = [{transform_indices = #map}, {transform_indices = #map}, {transform_indices = #map}, {transform_indices = #map1}]} {
    %mul3A = arith.constant 2 : i32
    %mul3A_0 = arith.muli %arg1, %mul3A : i32
    %add3A = arith.addi %mul3A_0, %arg0 : i32
    %mul3A_1 = arith.constant 128 : i32
    %mul3A_2 = arith.muli %add3A, %mul3A_1 : i32
    "tpu.region"() ({
      %run_scoped3A = tpu.sem_alloc : memref<!tpu.dma_semaphore, #tpu.memory_space<semaphore_mem>>
      tpu.enqueue_dma source(%arg4 : memref<200x64xf32, #tpu.memory_space<hbm>>) target(%arg6 : memref<200x64xf32, #tpu.memory_space<vmem>>) target_semaphore(%run_scoped3A : memref<!tpu.dma_semaphore, #tpu.memory_space<semaphore_mem>>)
      tpu.wait_dma2 semaphore(%run_scoped3A : memref<!tpu.dma_semaphore, #tpu.memory_space<semaphore_mem>>) src(%arg4 : memref<200x64xf32, #tpu.memory_space<hbm>>) dst(%arg6 : memref<200x64xf32, #tpu.memory_space<vmem>>)
      tpu.yield
    }) : () -> ()
    %add3A_3 = arith.constant 0 : i32
    %add3A_4 = arith.addi %mul3A_2, %add3A_3 : i32
    %dma_start3A = arith.constant 0 : i32
    %dma_start3A_5 = tpu.memref_slice %arg3[%add3A_4, %dma_start3A] : memref<4096x200xi32, #tpu.memory_space<hbm>> -> memref<1x200xi32, #tpu.memory_space<hbm>>
    %dma_start3A_6 = tpu.memref_squeeze %dma_start3A_5 : memref<1x200xi32, #tpu.memory_space<hbm>> -> memref<200xi32, #tpu.memory_space<hbm>>
    %dma_start3A_7 = arith.constant 0 : i32
    %dma_start3A_8 = tpu.memref_slice %arg3[%add3A_4, %dma_start3A_7] : memref<4096x200xi32, #tpu.memory_space<hbm>> -> memref<1x200xi32, #tpu.memory_space<hbm>>
    %dma_start3A_9 = tpu.memref_squeeze %dma_start3A_8 : memref<1x200xi32, #tpu.memory_space<hbm>> -> memref<200xi32, #tpu.memory_space<hbm>>
    tpu.enqueue_dma source(%dma_start3A_9 : memref<200xi32, #tpu.memory_space<hbm>>) target(%arg7 : memref<200xi32, #tpu.memory_space<vmem>>) target_semaphore(%arg15 : memref<!tpu.dma_semaphore, #tpu.memory_space<semaphore_mem>>)
    %add3A_10 = arith.constant 1 : i32
    %add3A_11 = arith.addi %mul3A_2, %add3A_10 : i32
    %dma_start3A_12 = arith.constant 0 : i32
    %dma_start3A_13 = tpu.memref_slice %arg3[%add3A_11, %dma_start3A_12] : memref<4096x200xi32, #tpu.memory_space<hbm>> -> memref<1x200xi32, #tpu.memory_space<hbm>>
    %dma_start3A_14 = tpu.memref_squeeze %dma_start3A_13 : memref<1x200xi32, #tpu.memory_space<hbm>> -> memref<200xi32, #tpu.memory_space<hbm>>
    %dma_start3A_15 = arith.constant 0 : i32
    %dma_start3A_16 = tpu.memref_slice %arg3[%add3A_11, %dma_start3A_15] : memref<4096x200xi32, #tpu.memory_space<hbm>> -> memref<1x200xi32, #tpu.memory_space<hbm>>
    %dma_start3A_17 = tpu.memref_squeeze %dma_start3A_16 : memref<1x200xi32, #tpu.memory_space<hbm>> -> memref<200xi32, #tpu.memory_space<hbm>>
    tpu.enqueue_dma source(%dma_start3A_17 : memref<200xi32, #tpu.memory_space<hbm>>) target(%arg8 : memref<200xi32, #tpu.memory_space<vmem>>) target_semaphore(%arg16 : memref<!tpu.dma_semaphore, #tpu.memory_space<semaphore_mem>>)
    %add3A_18 = arith.constant 2 : i32
    %add3A_19 = arith.addi %mul3A_2, %add3A_18 : i32
    %dma_start3A_20 = arith.constant 0 : i32
    %dma_start3A_21 = tpu.memref_slice %arg3[%add3A_19, %dma_start3A_20] : memref<4096x200xi32, #tpu.memory_space<hbm>> -> memref<1x200xi32, #tpu.memory_space<hbm>>
    %dma_start3A_22 = tpu.memref_squeeze %dma_start3A_21 : memref<1x200xi32, #tpu.memory_space<hbm>> -> memref<200xi32, #tpu.memory_space<hbm>>
    %dma_start3A_23 = arith.constant 0 : i32
    %dma_start3A_24 = tpu.memref_slice %arg3[%add3A_19, %dma_start3A_23] : memref<4096x200xi32, #tpu.memory_space<hbm>> -> memref<1x200xi32, #tpu.memory_space<hbm>>
    %dma_start3A_25 = tpu.memref_squeeze %dma_start3A_24 : memref<1x200xi32, #tpu.memory_space<hbm>> -> memref<200xi32, #tpu.memory_space<hbm>>
    tpu.enqueue_dma source(%dma_start3A_25 : memref<200xi32, #tpu.memory_space<hbm>>) target(%arg9 : memref<200xi32, #tpu.memory_space<vmem>>) target_semaphore(%arg17 : memref<!tpu.dma_semaphore, #tpu.memory_space<semaphore_mem>>)
    %add3A_26 = arith.constant 3 : i32
    %add3A_27 = arith.addi %mul3A_2, %add3A_26 : i32
    %dma_start3A_28 = arith.constant 0 : i32
    %dma_start3A_29 = tpu.memref_slice %arg3[%add3A_27, %dma_start3A_28] : memref<4096x200xi32, #tpu.memory_space<hbm>> -> memref<1x200xi32, #tpu.memory_space<hbm>>
    %dma_start3A_30 = tpu.memref_squeeze %dma_start3A_29 : memref<1x200xi32, #tpu.memory_space<hbm>> -> memref<200xi32, #tpu.memory_space<hbm>>
    %dma_start3A_31 = arith.constant 0 : i32
    %dma_start3A_32 = tpu.memref_slice %arg3[%add3A_27, %dma_start3A_31] : memref<4096x200xi32, #tpu.memory_space<hbm>> -> memref<1x200xi32, #tpu.memory_space<hbm>>
    %dma_start3A_33 = tpu.memref_squeeze %dma_start3A_32 : memref<1x200xi32, #tpu.memory_space<hbm>> -> memref<200xi32, #tpu.memory_space<hbm>>
    tpu.enqueue_dma source(%dma_start3A_33 : memref<200xi32, #tpu.memory_space<hbm>>) target(%arg10 : memref<200xi32, #tpu.memory_space<vmem>>) target_semaphore(%arg18 : memref<!tpu.dma_semaphore, #tpu.memory_space<semaphore_mem>>)
    %parallel_loop3A = arith.constant 0 : i32
    %parallel_loop3A_34 = arith.constant 200 : i32
    %parallel_loop3A_35 = arith.constant 1 : i32
    scf.for %parallel_loop3A_113 = %parallel_loop3A to %parallel_loop3A_34 step %parallel_loop3A_35  : i32 {
      %parallel_loop3A_114 = arith.index_cast %parallel_loop3A_113 : i32 to index
      %parallel_loop3A_115 = arith.constant 0 : index
      %parallel_loop3A_116 = tpu.vector_load %arg6[%parallel_loop3A_114, %parallel_loop3A_115] {strides = array<i32>} : memref<200x64xf32, #tpu.memory_space<vmem>>, vector<1x16xf32>,
      %parallel_loop3A_117 = vector.shape_cast %parallel_loop3A_116 : vector<1x16xf32> to vector<16xf32>
      %parallel_loop3A_118 = arith.index_cast %parallel_loop3A_113 : i32 to index
      %parallel_loop3A_119 = arith.constant 0 : index
      %parallel_loop3A_120 = tpu.vector_load %arg11[%parallel_loop3A_118, %parallel_loop3A_119] {strides = array<i32>} : memref<200x64xf32, #tpu.memory_space<vmem>>, vector<1x16xf32>,
      %parallel_loop3A_121 = vector.shape_cast %parallel_loop3A_120 : vector<1x16xf32> to vector<16xf32>
      %parallel_loop3A_122 = vector.shape_cast %parallel_loop3A_117 : vector<16xf32> to vector<1x16xf32>
      tpu.vector_store %arg11[%parallel_loop3A_118, %parallel_loop3A_119], %parallel_loop3A_122 {strides = array<i32>} : memref<200x64xf32, #tpu.memory_space<vmem>>, vector<1x16xf32>,
      %parallel_loop3A_123 = arith.index_cast %parallel_loop3A_113 : i32 to index
      %parallel_loop3A_124 = arith.constant 16 : index
      %parallel_loop3A_125 = tpu.vector_load %arg6[%parallel_loop3A_123, %parallel_loop3A_124] {strides = array<i32>} : memref<200x64xf32, #tpu.memory_space<vmem>>, vector<1x16xf32>,
      %parallel_loop3A_126 = vector.shape_cast %parallel_loop3A_125 : vector<1x16xf32> to vector<16xf32>
      %parallel_loop3A_127 = arith.index_cast %parallel_loop3A_113 : i32 to index
      %parallel_loop3A_128 = arith.constant 16 : index
      %parallel_loop3A_129 = tpu.vector_load %arg11[%parallel_loop3A_127, %parallel_loop3A_128] {strides = array<i32>} : memref<200x64xf32, #tpu.memory_space<vmem>>, vector<1x16xf32>,
      %parallel_loop3A_130 = vector.shape_cast %parallel_loop3A_129 : vector<1x16xf32> to vector<16xf32>
      %parallel_loop3A_131 = vector.shape_cast %parallel_loop3A_126 : vector<16xf32> to vector<1x16xf32>
      tpu.vector_store %arg11[%parallel_loop3A_127, %parallel_loop3A_128], %parallel_loop3A_131 {strides = array<i32>} : memref<200x64xf32, #tpu.memory_space<vmem>>, vector<1x16xf32>,
      %parallel_loop3A_132 = arith.index_cast %parallel_loop3A_113 : i32 to index
      %parallel_loop3A_133 = arith.constant 32 : index
      %parallel_loop3A_134 = tpu.vector_load %arg6[%parallel_loop3A_132, %parallel_loop3A_133] {strides = array<i32>} : memref<200x64xf32, #tpu.memory_space<vmem>>, vector<1x16xf32>,
      %parallel_loop3A_135 = vector.shape_cast %parallel_loop3A_134 : vector<1x16xf32> to vector<16xf32>
      %parallel_loop3A_136 = arith.index_cast %parallel_loop3A_113 : i32 to index
      %parallel_loop3A_137 = arith.constant 32 : index
      %parallel_loop3A_138 = tpu.vector_load %arg11[%parallel_loop3A_136, %parallel_loop3A_137] {strides = array<i32>} : memref<200x64xf32, #tpu.memory_space<vmem>>, vector<1x16xf32>,
      %parallel_loop3A_139 = vector.shape_cast %parallel_loop3A_138 : vector<1x16xf32> to vector<16xf32>
      %parallel_loop3A_140 = vector.shape_cast %parallel_loop3A_135 : vector<16xf32> to vector<1x16xf32>
      tpu.vector_store %arg11[%parallel_loop3A_136, %parallel_loop3A_137], %parallel_loop3A_140 {strides = array<i32>} : memref<200x64xf32, #tpu.memory_space<vmem>>, vector<1x16xf32>,
      %parallel_loop3A_141 = arith.index_cast %parallel_loop3A_113 : i32 to index
      %parallel_loop3A_142 = arith.constant 48 : index
      %parallel_loop3A_143 = tpu.vector_load %arg6[%parallel_loop3A_141, %parallel_loop3A_142] {strides = array<i32>} : memref<200x64xf32, #tpu.memory_space<vmem>>, vector<1x16xf32>,
      %parallel_loop3A_144 = vector.shape_cast %parallel_loop3A_143 : vector<1x16xf32> to vector<16xf32>
      %parallel_loop3A_145 = arith.index_cast %parallel_loop3A_113 : i32 to index
      %parallel_loop3A_146 = arith.constant 48 : index
      %parallel_loop3A_147 = tpu.vector_load %arg11[%parallel_loop3A_145, %parallel_loop3A_146] {strides = array<i32>} : memref<200x64xf32, #tpu.memory_space<vmem>>, vector<1x16xf32>,
      %parallel_loop3A_148 = vector.shape_cast %parallel_loop3A_147 : vector<1x16xf32> to vector<16xf32>
      %parallel_loop3A_149 = vector.shape_cast %parallel_loop3A_144 : vector<16xf32> to vector<1x16xf32>
      tpu.vector_store %arg11[%parallel_loop3A_145, %parallel_loop3A_146], %parallel_loop3A_149 {strides = array<i32>} : memref<200x64xf32, #tpu.memory_space<vmem>>, vector<1x16xf32>,
    } {sc.loop_unroll_factor = 8 : i64, sc.parallel_access}
    %dma_wait3A = arith.constant 0 : i32
    %dma_wait3A_36 = arith.constant 0 : i32
    %dma_wait3A_37 = tpu.memref_slice %arg3[%dma_wait3A, %dma_wait3A_36] : memref<4096x200xi32, #tpu.memory_space<hbm>> -> memref<1x200xi32, #tpu.memory_space<hbm>>
    %dma_wait3A_38 = tpu.memref_squeeze %dma_wait3A_37 : memref<1x200xi32, #tpu.memory_space<hbm>> -> memref<200xi32, #tpu.memory_space<hbm>>
    %dma_wait3A_39 = arith.constant 0 : i32
    %dma_wait3A_40 = tpu.memref_slice %arg3[%dma_wait3A, %dma_wait3A_39] : memref<4096x200xi32, #tpu.memory_space<hbm>> -> memref<1x200xi32, #tpu.memory_space<hbm>>
    %dma_wait3A_41 = tpu.memref_squeeze %dma_wait3A_40 : memref<1x200xi32, #tpu.memory_space<hbm>> -> memref<200xi32, #tpu.memory_space<hbm>>
    tpu.wait_dma2 semaphore(%arg15 : memref<!tpu.dma_semaphore, #tpu.memory_space<semaphore_mem>>) src(%dma_wait3A_41 : memref<200xi32, #tpu.memory_space<hbm>>) dst(%arg7 : memref<200xi32, #tpu.memory_space<vmem>>)
    %dma_start3A_42 = arith.constant 0 : i32
    %dma_start3A_43 = arith.constant 0 : i32
    %dma_start3A_44 = tpu.memref_slice %arg2[%dma_start3A_42, %dma_start3A_43] : memref<1000000x64xf32, #tpu.memory_space<hbm>> -> memref<1000000x64xf32, #tpu.memory_space<hbm>>
    tpu.enqueue_indirect_dma source(%dma_start3A_44 : memref<1000000x64xf32, #tpu.memory_space<hbm>>) target(%arg11 : memref<200x64xf32, #tpu.memory_space<vmem>>) offsets(%arg7 : memref<200xi32, #tpu.memory_space<vmem>>) semaphore(%arg19 : memref<!tpu.dma_semaphore, #tpu.memory_space<semaphore_mem>>) {add = true}
    %parallel_loop3A_45 = arith.constant 0 : i32
    %parallel_loop3A_46 = arith.constant 200 : i32
    %parallel_loop3A_47 = arith.constant 1 : i32
    scf.for %parallel_loop3A_113 = %parallel_loop3A_45 to %parallel_loop3A_46 step %parallel_loop3A_47  : i32 {
      %parallel_loop3A_114 = arith.index_cast %parallel_loop3A_113 : i32 to index
      %parallel_loop3A_115 = arith.constant 0 : index
      %parallel_loop3A_116 = tpu.vector_load %arg6[%parallel_loop3A_114, %parallel_loop3A_115] {strides = array<i32>} : memref<200x64xf32, #tpu.memory_space<vmem>>, vector<1x16xf32>,
      %parallel_loop3A_117 = vector.shape_cast %parallel_loop3A_116 : vector<1x16xf32> to vector<16xf32>
      %parallel_loop3A_118 = arith.index_cast %parallel_loop3A_113 : i32 to index
      %parallel_loop3A_119 = arith.constant 0 : index
      %parallel_loop3A_120 = tpu.vector_load %arg12[%parallel_loop3A_118, %parallel_loop3A_119] {strides = array<i32>} : memref<200x64xf32, #tpu.memory_space<vmem>>, vector<1x16xf32>,
      %parallel_loop3A_121 = vector.shape_cast %parallel_loop3A_120 : vector<1x16xf32> to vector<16xf32>
      %parallel_loop3A_122 = vector.shape_cast %parallel_loop3A_117 : vector<16xf32> to vector<1x16xf32>
      tpu.vector_store %arg12[%parallel_loop3A_118, %parallel_loop3A_119], %parallel_loop3A_122 {strides = array<i32>} : memref<200x64xf32, #tpu.memory_space<vmem>>, vector<1x16xf32>,
      %parallel_loop3A_123 = arith.index_cast %parallel_loop3A_113 : i32 to index
      %parallel_loop3A_124 = arith.constant 16 : index
      %parallel_loop3A_125 = tpu.vector_load %arg6[%parallel_loop3A_123, %parallel_loop3A_124] {strides = array<i32>} : memref<200x64xf32, #tpu.memory_space<vmem>>, vector<1x16xf32>,
      %parallel_loop3A_126 = vector.shape_cast %parallel_loop3A_125 : vector<1x16xf32> to vector<16xf32>
      %parallel_loop3A_127 = arith.index_cast %parallel_loop3A_113 : i32 to index
      %parallel_loop3A_128 = arith.constant 16 : index
      %parallel_loop3A_129 = tpu.vector_load %arg12[%parallel_loop3A_127, %parallel_loop3A_128] {strides = array<i32>} : memref<200x64xf32, #tpu.memory_space<vmem>>, vector<1x16xf32>,
      %parallel_loop3A_130 = vector.shape_cast %parallel_loop3A_129 : vector<1x16xf32> to vector<16xf32>
      %parallel_loop3A_131 = vector.shape_cast %parallel_loop3A_126 : vector<16xf32> to vector<1x16xf32>
      tpu.vector_store %arg12[%parallel_loop3A_127, %parallel_loop3A_128], %parallel_loop3A_131 {strides = array<i32>} : memref<200x64xf32, #tpu.memory_space<vmem>>, vector<1x16xf32>,
      %parallel_loop3A_132 = arith.index_cast %parallel_loop3A_113 : i32 to index
      %parallel_loop3A_133 = arith.constant 32 : index
      %parallel_loop3A_134 = tpu.vector_load %arg6[%parallel_loop3A_132, %parallel_loop3A_133] {strides = array<i32>} : memref<200x64xf32, #tpu.memory_space<vmem>>, vector<1x16xf32>,
      %parallel_loop3A_135 = vector.shape_cast %parallel_loop3A_134 : vector<1x16xf32> to vector<16xf32>
      %parallel_loop3A_136 = arith.index_cast %parallel_loop3A_113 : i32 to index
      %parallel_loop3A_137 = arith.constant 32 : index
      %parallel_loop3A_138 = tpu.vector_load %arg12[%parallel_loop3A_136, %parallel_loop3A_137] {strides = array<i32>} : memref<200x64xf32, #tpu.memory_space<vmem>>, vector<1x16xf32>,
      %parallel_loop3A_139 = vector.shape_cast %parallel_loop3A_138 : vector<1x16xf32> to vector<16xf32>
      %parallel_loop3A_140 = vector.shape_cast %parallel_loop3A_135 : vector<16xf32> to vector<1x16xf32>
      tpu.vector_store %arg12[%parallel_loop3A_136, %parallel_loop3A_137], %parallel_loop3A_140 {strides = array<i32>} : memref<200x64xf32, #tpu.memory_space<vmem>>, vector<1x16xf32>,
      %parallel_loop3A_141 = arith.index_cast %parallel_loop3A_113 : i32 to index
      %parallel_loop3A_142 = arith.constant 48 : index
      %parallel_loop3A_143 = tpu.vector_load %arg6[%parallel_loop3A_141, %parallel_loop3A_142] {strides = array<i32>} : memref<200x64xf32, #tpu.memory_space<vmem>>, vector<1x16xf32>,
      %parallel_loop3A_144 = vector.shape_cast %parallel_loop3A_143 : vector<1x16xf32> to vector<16xf32>
      %parallel_loop3A_145 = arith.index_cast %parallel_loop3A_113 : i32 to index
      %parallel_loop3A_146 = arith.constant 48 : index
      %parallel_loop3A_147 = tpu.vector_load %arg12[%parallel_loop3A_145, %parallel_loop3A_146] {strides = array<i32>} : memref<200x64xf32, #tpu.memory_space<vmem>>, vector<1x16xf32>,
      %parallel_loop3A_148 = vector.shape_cast %parallel_loop3A_147 : vector<1x16xf32> to vector<16xf32>
      %parallel_loop3A_149 = vector.shape_cast %parallel_loop3A_144 : vector<16xf32> to vector<1x16xf32>
      tpu.vector_store %arg12[%parallel_loop3A_145, %parallel_loop3A_146], %parallel_loop3A_149 {strides = array<i32>} : memref<200x64xf32, #tpu.memory_space<vmem>>, vector<1x16xf32>,
    } {sc.loop_unroll_factor = 8 : i64, sc.parallel_access}
    %dma_wait3A_48 = arith.constant 0 : i32
    %dma_wait3A_49 = arith.constant 0 : i32
    %dma_wait3A_50 = tpu.memref_slice %arg3[%dma_wait3A_48, %dma_wait3A_49] : memref<4096x200xi32, #tpu.memory_space<hbm>> -> memref<1x200xi32, #tpu.memory_space<hbm>>
    %dma_wait3A_51 = tpu.memref_squeeze %dma_wait3A_50 : memref<1x200xi32, #tpu.memory_space<hbm>> -> memref<200xi32, #tpu.memory_space<hbm>>
    %dma_wait3A_52 = arith.constant 0 : i32
    %dma_wait3A_53 = tpu.memref_slice %arg3[%dma_wait3A_48, %dma_wait3A_52] : memref<4096x200xi32, #tpu.memory_space<hbm>> -> memref<1x200xi32, #tpu.memory_space<hbm>>
    %dma_wait3A_54 = tpu.memref_squeeze %dma_wait3A_53 : memref<1x200xi32, #tpu.memory_space<hbm>> -> memref<200xi32, #tpu.memory_space<hbm>>
    tpu.wait_dma2 semaphore(%arg16 : memref<!tpu.dma_semaphore, #tpu.memory_space<semaphore_mem>>) src(%dma_wait3A_54 : memref<200xi32, #tpu.memory_space<hbm>>) dst(%arg8 : memref<200xi32, #tpu.memory_space<vmem>>)
    %dma_start3A_55 = arith.constant 0 : i32
    %dma_start3A_56 = arith.constant 0 : i32
    %dma_start3A_57 = tpu.memref_slice %arg2[%dma_start3A_55, %dma_start3A_56] : memref<1000000x64xf32, #tpu.memory_space<hbm>> -> memref<1000000x64xf32, #tpu.memory_space<hbm>>
    tpu.enqueue_indirect_dma source(%dma_start3A_57 : memref<1000000x64xf32, #tpu.memory_space<hbm>>) target(%arg12 : memref<200x64xf32, #tpu.memory_space<vmem>>) offsets(%arg8 : memref<200xi32, #tpu.memory_space<vmem>>) semaphore(%arg20 : memref<!tpu.dma_semaphore, #tpu.memory_space<semaphore_mem>>) {add = true}
    %parallel_loop3A_58 = arith.constant 0 : i32
    %parallel_loop3A_59 = arith.constant 200 : i32
    %parallel_loop3A_60 = arith.constant 1 : i32
    scf.for %parallel_loop3A_113 = %parallel_loop3A_58 to %parallel_loop3A_59 step %parallel_loop3A_60  : i32 {
      %parallel_loop3A_114 = arith.index_cast %parallel_loop3A_113 : i32 to index
      %parallel_loop3A_115 = arith.constant 0 : index
      %parallel_loop3A_116 = tpu.vector_load %arg6[%parallel_loop3A_114, %parallel_loop3A_115] {strides = array<i32>} : memref<200x64xf32, #tpu.memory_space<vmem>>, vector<1x16xf32>,
      %parallel_loop3A_117 = vector.shape_cast %parallel_loop3A_116 : vector<1x16xf32> to vector<16xf32>
      %parallel_loop3A_118 = arith.index_cast %parallel_loop3A_113 : i32 to index
      %parallel_loop3A_119 = arith.constant 0 : index
      %parallel_loop3A_120 = tpu.vector_load %arg13[%parallel_loop3A_118, %parallel_loop3A_119] {strides = array<i32>} : memref<200x64xf32, #tpu.memory_space<vmem>>, vector<1x16xf32>,
      %parallel_loop3A_121 = vector.shape_cast %parallel_loop3A_120 : vector<1x16xf32> to vector<16xf32>
      %parallel_loop3A_122 = vector.shape_cast %parallel_loop3A_117 : vector<16xf32> to vector<1x16xf32>
      tpu.vector_store %arg13[%parallel_loop3A_118, %parallel_loop3A_119], %parallel_loop3A_122 {strides = array<i32>} : memref<200x64xf32, #tpu.memory_space<vmem>>, vector<1x16xf32>,
      %parallel_loop3A_123 = arith.index_cast %parallel_loop3A_113 : i32 to index
      %parallel_loop3A_124 = arith.constant 16 : index
      %parallel_loop3A_125 = tpu.vector_load %arg6[%parallel_loop3A_123, %parallel_loop3A_124] {strides = array<i32>} : memref<200x64xf32, #tpu.memory_space<vmem>>, vector<1x16xf32>,
      %parallel_loop3A_126 = vector.shape_cast %parallel_loop3A_125 : vector<1x16xf32> to vector<16xf32>
      %parallel_loop3A_127 = arith.index_cast %parallel_loop3A_113 : i32 to index
      %parallel_loop3A_128 = arith.constant 16 : index
      %parallel_loop3A_129 = tpu.vector_load %arg13[%parallel_loop3A_127, %parallel_loop3A_128] {strides = array<i32>} : memref<200x64xf32, #tpu.memory_space<vmem>>, vector<1x16xf32>,
      %parallel_loop3A_130 = vector.shape_cast %parallel_loop3A_129 : vector<1x16xf32> to vector<16xf32>
      %parallel_loop3A_131 = vector.shape_cast %parallel_loop3A_126 : vector<16xf32> to vector<1x16xf32>
      tpu.vector_store %arg13[%parallel_loop3A_127, %parallel_loop3A_128], %parallel_loop3A_131 {strides = array<i32>} : memref<200x64xf32, #tpu.memory_space<vmem>>, vector<1x16xf32>,
      %parallel_loop3A_132 = arith.index_cast %parallel_loop3A_113 : i32 to index
      %parallel_loop3A_133 = arith.constant 32 : index
      %parallel_loop3A_134 = tpu.vector_load %arg6[%parallel_loop3A_132, %parallel_loop3A_133] {strides = array<i32>} : memref<200x64xf32, #tpu.memory_space<vmem>>, vector<1x16xf32>,
      %parallel_loop3A_135 = vector.shape_cast %parallel_loop3A_134 : vector<1x16xf32> to vector<16xf32>
      %parallel_loop3A_136 = arith.index_cast %parallel_loop3A_113 : i32 to index
      %parallel_loop3A_137 = arith.constant 32 : index
      %parallel_loop3A_138 = tpu.vector_load %arg13[%parallel_loop3A_136, %parallel_loop3A_137] {strides = array<i32>} : memref<200x64xf32, #tpu.memory_space<vmem>>, vector<1x16xf32>,
      %parallel_loop3A_139 = vector.shape_cast %parallel_loop3A_138 : vector<1x16xf32> to vector<16xf32>
      %parallel_loop3A_140 = vector.shape_cast %parallel_loop3A_135 : vector<16xf32> to vector<1x16xf32>
      tpu.vector_store %arg13[%parallel_loop3A_136, %parallel_loop3A_137], %parallel_loop3A_140 {strides = array<i32>} : memref<200x64xf32, #tpu.memory_space<vmem>>, vector<1x16xf32>,
      %parallel_loop3A_141 = arith.index_cast %parallel_loop3A_113 : i32 to index
      %parallel_loop3A_142 = arith.constant 48 : index
      %parallel_loop3A_143 = tpu.vector_load %arg6[%parallel_loop3A_141, %parallel_loop3A_142] {strides = array<i32>} : memref<200x64xf32, #tpu.memory_space<vmem>>, vector<1x16xf32>,
      %parallel_loop3A_144 = vector.shape_cast %parallel_loop3A_143 : vector<1x16xf32> to vector<16xf32>
      %parallel_loop3A_145 = arith.index_cast %parallel_loop3A_113 : i32 to index
      %parallel_loop3A_146 = arith.constant 48 : index
      %parallel_loop3A_147 = tpu.vector_load %arg13[%parallel_loop3A_145, %parallel_loop3A_146] {strides = array<i32>} : memref<200x64xf32, #tpu.memory_space<vmem>>, vector<1x16xf32>,
      %parallel_loop3A_148 = vector.shape_cast %parallel_loop3A_147 : vector<1x16xf32> to vector<16xf32>
      %parallel_loop3A_149 = vector.shape_cast %parallel_loop3A_144 : vector<16xf32> to vector<1x16xf32>
      tpu.vector_store %arg13[%parallel_loop3A_145, %parallel_loop3A_146], %parallel_loop3A_149 {strides = array<i32>} : memref<200x64xf32, #tpu.memory_space<vmem>>, vector<1x16xf32>,
    } {sc.loop_unroll_factor = 8 : i64, sc.parallel_access}
    %dma_wait3A_61 = arith.constant 0 : i32
    %dma_wait3A_62 = arith.constant 0 : i32
    %dma_wait3A_63 = tpu.memref_slice %arg3[%dma_wait3A_61, %dma_wait3A_62] : memref<4096x200xi32, #tpu.memory_space<hbm>> -> memref<1x200xi32, #tpu.memory_space<hbm>>
    %dma_wait3A_64 = tpu.memref_squeeze %dma_wait3A_63 : memref<1x200xi32, #tpu.memory_space<hbm>> -> memref<200xi32, #tpu.memory_space<hbm>>
    %dma_wait3A_65 = arith.constant 0 : i32
    %dma_wait3A_66 = tpu.memref_slice %arg3[%dma_wait3A_61, %dma_wait3A_65] : memref<4096x200xi32, #tpu.memory_space<hbm>> -> memref<1x200xi32, #tpu.memory_space<hbm>>
    %dma_wait3A_67 = tpu.memref_squeeze %dma_wait3A_66 : memref<1x200xi32, #tpu.memory_space<hbm>> -> memref<200xi32, #tpu.memory_space<hbm>>
    tpu.wait_dma2 semaphore(%arg17 : memref<!tpu.dma_semaphore, #tpu.memory_space<semaphore_mem>>) src(%dma_wait3A_67 : memref<200xi32, #tpu.memory_space<hbm>>) dst(%arg9 : memref<200xi32, #tpu.memory_space<vmem>>)
    %dma_start3A_68 = arith.constant 0 : i32
    %dma_start3A_69 = arith.constant 0 : i32
    %dma_start3A_70 = tpu.memref_slice %arg2[%dma_start3A_68, %dma_start3A_69] : memref<1000000x64xf32, #tpu.memory_space<hbm>> -> memref<1000000x64xf32, #tpu.memory_space<hbm>>
    tpu.enqueue_indirect_dma source(%dma_start3A_70 : memref<1000000x64xf32, #tpu.memory_space<hbm>>) target(%arg13 : memref<200x64xf32, #tpu.memory_space<vmem>>) offsets(%arg9 : memref<200xi32, #tpu.memory_space<vmem>>) semaphore(%arg21 : memref<!tpu.dma_semaphore, #tpu.memory_space<semaphore_mem>>) {add = true}
    %scan3A = arith.constant 0 : i32
    %scan3A_71 = arith.constant 0 : i32
    %scan3A_72 = arith.constant 32 : i32
    %scan3A_73 = arith.addi %scan3A_71, %scan3A_72 : i32
    %scan3A_74 = arith.constant 1 : i32
    %scan3A_75 = scf.for %scan3A_113 = %scan3A_71 to %scan3A_73 step %scan3A_74 iter_args(%scan3A_114 = %scan3A) -> (i32)  : i32 {
      %mul3A_115 = arith.constant 4 : i32
      %mul3A_116 = arith.muli %mul3A_115, %scan3A_113 : i32
      %add3A_117 = arith.constant 0 : i32
      %add3A_118 = arith.addi %mul3A_116, %add3A_117 : i32
      %add3A_119 = arith.constant 4 : i32
      %add3A_120 = arith.addi %add3A_118, %add3A_119 : i32
      %sub3A = arith.constant 1 : i32
      %sub3A_121 = arith.subi %add3A_120, %sub3A : i32
      %lt3A = arith.constant 128 : i32
      %lt3A_122 = arith.cmpi slt, %sub3A_121, %lt3A : i32
      %convert_element_type3A = arith.extui %lt3A_122 : i1 to i32
      %cond3A = arith.constant 0 : i32
      %cond3A_123 = arith.cmpi ne, %convert_element_type3A, %cond3A : i32
      scf.if %cond3A_123 {
        %ge3A = arith.constant 4 : i32
        %ge3A_252 = arith.cmpi sge, %sub3A_121, %ge3A : i32
        %convert_element_type3A_253 = arith.extui %ge3A_252 : i1 to i32
        %cond3A_254 = arith.constant 0 : i32
        %cond3A_255 = arith.cmpi ne, %convert_element_type3A_253, %cond3A_254 : i32
        scf.if %cond3A_255 {
          %dma_wait3A_269 = arith.constant 0 : i32
          %dma_wait3A_270 = arith.constant 0 : i32
          %dma_wait3A_271 = arith.constant 0 : i32
          %dma_wait3A_272 = tpu.memref_slice %arg5[%dma_wait3A_269, %dma_wait3A_270, %dma_wait3A_271] : memref<4096x200x64xf32, #tpu.memory_space<hbm>> -> memref<1x200x64xf32, #tpu.memory_space<hbm>>
          %dma_wait3A_273 = tpu.memref_squeeze %dma_wait3A_272 : memref<1x200x64xf32, #tpu.memory_space<hbm>> -> memref<200x64xf32, #tpu.memory_space<hbm>>
          %dma_wait3A_274 = arith.constant 0 : i32
          %dma_wait3A_275 = arith.constant 0 : i32
          %dma_wait3A_276 = tpu.memref_slice %arg5[%dma_wait3A_269, %dma_wait3A_274, %dma_wait3A_275] : memref<4096x200x64xf32, #tpu.memory_space<hbm>> -> memref<1x200x64xf32, #tpu.memory_space<hbm>>
          %dma_wait3A_277 = tpu.memref_squeeze %dma_wait3A_276 : memref<1x200x64xf32, #tpu.memory_space<hbm>> -> memref<200x64xf32, #tpu.memory_space<hbm>>
          tpu.wait_dma2 semaphore(%arg26 : memref<!tpu.dma_semaphore, #tpu.memory_space<semaphore_mem>>) src(%arg14 : memref<200x64xf32, #tpu.memory_space<vmem>>) dst(%dma_wait3A_277 : memref<200x64xf32, #tpu.memory_space<hbm>>)
        } else {
        }
        %parallel_loop3A_256 = arith.constant 0 : i32
        %parallel_loop3A_257 = arith.constant 200 : i32
        %parallel_loop3A_258 = arith.constant 1 : i32
        scf.for %parallel_loop3A_269 = %parallel_loop3A_256 to %parallel_loop3A_257 step %parallel_loop3A_258  : i32 {
          %parallel_loop3A_270 = arith.index_cast %parallel_loop3A_269 : i32 to index
          %parallel_loop3A_271 = arith.constant 0 : index
          %parallel_loop3A_272 = tpu.vector_load %arg6[%parallel_loop3A_270, %parallel_loop3A_271] {strides = array<i32>} : memref<200x64xf32, #tpu.memory_space<vmem>>, vector<1x16xf32>,
          %parallel_loop3A_273 = vector.shape_cast %parallel_loop3A_272 : vector<1x16xf32> to vector<16xf32>
          %parallel_loop3A_274 = arith.index_cast %parallel_loop3A_269 : i32 to index
          %parallel_loop3A_275 = arith.constant 0 : index
          %parallel_loop3A_276 = tpu.vector_load %arg14[%parallel_loop3A_274, %parallel_loop3A_275] {strides = array<i32>} : memref<200x64xf32, #tpu.memory_space<vmem>>, vector<1x16xf32>,
          %parallel_loop3A_277 = vector.shape_cast %parallel_loop3A_276 : vector<1x16xf32> to vector<16xf32>
          %parallel_loop3A_278 = vector.shape_cast %parallel_loop3A_273 : vector<16xf32> to vector<1x16xf32>
          tpu.vector_store %arg14[%parallel_loop3A_274, %parallel_loop3A_275], %parallel_loop3A_278 {strides = array<i32>} : memref<200x64xf32, #tpu.memory_space<vmem>>, vector<1x16xf32>,
          %parallel_loop3A_279 = arith.index_cast %parallel_loop3A_269 : i32 to index
          %parallel_loop3A_280 = arith.constant 16 : index
          %parallel_loop3A_281 = tpu.vector_load %arg6[%parallel_loop3A_279, %parallel_loop3A_280] {strides = array<i32>} : memref<200x64xf32, #tpu.memory_space<vmem>>, vector<1x16xf32>,
          %parallel_loop3A_282 = vector.shape_cast %parallel_loop3A_281 : vector<1x16xf32> to vector<16xf32>
          %parallel_loop3A_283 = arith.index_cast %parallel_loop3A_269 : i32 to index
          %parallel_loop3A_284 = arith.constant 16 : index
          %parallel_loop3A_285 = tpu.vector_load %arg14[%parallel_loop3A_283, %parallel_loop3A_284] {strides = array<i32>} : memref<200x64xf32, #tpu.memory_space<vmem>>, vector<1x16xf32>,
          %parallel_loop3A_286 = vector.shape_cast %parallel_loop3A_285 : vector<1x16xf32> to vector<16xf32>
          %parallel_loop3A_287 = vector.shape_cast %parallel_loop3A_282 : vector<16xf32> to vector<1x16xf32>
          tpu.vector_store %arg14[%parallel_loop3A_283, %parallel_loop3A_284], %parallel_loop3A_287 {strides = array<i32>} : memref<200x64xf32, #tpu.memory_space<vmem>>, vector<1x16xf32>,
          %parallel_loop3A_288 = arith.index_cast %parallel_loop3A_269 : i32 to index
          %parallel_loop3A_289 = arith.constant 32 : index
          %parallel_loop3A_290 = tpu.vector_load %arg6[%parallel_loop3A_288, %parallel_loop3A_289] {strides = array<i32>} : memref<200x64xf32, #tpu.memory_space<vmem>>, vector<1x16xf32>,
          %parallel_loop3A_291 = vector.shape_cast %parallel_loop3A_290 : vector<1x16xf32> to vector<16xf32>
          %parallel_loop3A_292 = arith.index_cast %parallel_loop3A_269 : i32 to index
          %parallel_loop3A_293 = arith.constant 32 : index
          %parallel_loop3A_294 = tpu.vector_load %arg14[%parallel_loop3A_292, %parallel_loop3A_293] {strides = array<i32>} : memref<200x64xf32, #tpu.memory_space<vmem>>, vector<1x16xf32>,
          %parallel_loop3A_295 = vector.shape_cast %parallel_loop3A_294 : vector<1x16xf32> to vector<16xf32>
          %parallel_loop3A_296 = vector.shape_cast %parallel_loop3A_291 : vector<16xf32> to vector<1x16xf32>
          tpu.vector_store %arg14[%parallel_loop3A_292, %parallel_loop3A_293], %parallel_loop3A_296 {strides = array<i32>} : memref<200x64xf32, #tpu.memory_space<vmem>>, vector<1x16xf32>,
          %parallel_loop3A_297 = arith.index_cast %parallel_loop3A_269 : i32 to index
          %parallel_loop3A_298 = arith.constant 48 : index
          %parallel_loop3A_299 = tpu.vector_load %arg6[%parallel_loop3A_297, %parallel_loop3A_298] {strides = array<i32>} : memref<200x64xf32, #tpu.memory_space<vmem>>, vector<1x16xf32>,
          %parallel_loop3A_300 = vector.shape_cast %parallel_loop3A_299 : vector<1x16xf32> to vector<16xf32>
          %parallel_loop3A_301 = arith.index_cast %parallel_loop3A_269 : i32 to index
          %parallel_loop3A_302 = arith.constant 48 : index
          %parallel_loop3A_303 = tpu.vector_load %arg14[%parallel_loop3A_301, %parallel_loop3A_302] {strides = array<i32>} : memref<200x64xf32, #tpu.memory_space<vmem>>, vector<1x16xf32>,
          %parallel_loop3A_304 = vector.shape_cast %parallel_loop3A_303 : vector<1x16xf32> to vector<16xf32>
          %parallel_loop3A_305 = vector.shape_cast %parallel_loop3A_300 : vector<16xf32> to vector<1x16xf32>
          tpu.vector_store %arg14[%parallel_loop3A_301, %parallel_loop3A_302], %parallel_loop3A_305 {strides = array<i32>} : memref<200x64xf32, #tpu.memory_space<vmem>>, vector<1x16xf32>,
        } {sc.loop_unroll_factor = 8 : i64, sc.parallel_access}
        %dma_wait3A_259 = arith.constant 0 : i32
        %dma_wait3A_260 = arith.constant 0 : i32
        %dma_wait3A_261 = tpu.memref_slice %arg3[%dma_wait3A_259, %dma_wait3A_260] : memref<4096x200xi32, #tpu.memory_space<hbm>> -> memref<1x200xi32, #tpu.memory_space<hbm>>
        %dma_wait3A_262 = tpu.memref_squeeze %dma_wait3A_261 : memref<1x200xi32, #tpu.memory_space<hbm>> -> memref<200xi32, #tpu.memory_space<hbm>>
        %dma_wait3A_263 = arith.constant 0 : i32
        %dma_wait3A_264 = tpu.memref_slice %arg3[%dma_wait3A_259, %dma_wait3A_263] : memref<4096x200xi32, #tpu.memory_space<hbm>> -> memref<1x200xi32, #tpu.memory_space<hbm>>
        %dma_wait3A_265 = tpu.memref_squeeze %dma_wait3A_264 : memref<1x200xi32, #tpu.memory_space<hbm>> -> memref<200xi32, #tpu.memory_space<hbm>>
        tpu.wait_dma2 semaphore(%arg18 : memref<!tpu.dma_semaphore, #tpu.memory_space<semaphore_mem>>) src(%dma_wait3A_265 : memref<200xi32, #tpu.memory_space<hbm>>) dst(%arg10 : memref<200xi32, #tpu.memory_space<vmem>>)
        %dma_start3A_266 = arith.constant 0 : i32
        %dma_start3A_267 = arith.constant 0 : i32
        %dma_start3A_268 = tpu.memref_slice %arg2[%dma_start3A_266, %dma_start3A_267] : memref<1000000x64xf32, #tpu.memory_space<hbm>> -> memref<1000000x64xf32, #tpu.memory_space<hbm>>
        tpu.enqueue_indirect_dma source(%dma_start3A_268 : memref<1000000x64xf32, #tpu.memory_space<hbm>>) target(%arg14 : memref<200x64xf32, #tpu.memory_space<vmem>>) offsets(%arg10 : memref<200xi32, #tpu.memory_space<vmem>>) semaphore(%arg22 : memref<!tpu.dma_semaphore, #tpu.memory_space<semaphore_mem>>) {add = true}
      } else {
      }
      %dma_wait3A_124 = arith.constant 0 : i32
      %dma_wait3A_125 = arith.constant 0 : i32
      %dma_wait3A_126 = tpu.memref_slice %arg2[%dma_wait3A_124, %dma_wait3A_125] : memref<1000000x64xf32, #tpu.memory_space<hbm>> -> memref<200x64xf32, #tpu.memory_space<hbm>>
      %dma_wait3A_127 = arith.constant 0 : i32
      %dma_wait3A_128 = arith.constant 0 : i32
      %dma_wait3A_129 = tpu.memref_slice %arg2[%dma_wait3A_127, %dma_wait3A_128] : memref<1000000x64xf32, #tpu.memory_space<hbm>> -> memref<200x64xf32, #tpu.memory_space<hbm>>
      tpu.wait_dma2 semaphore(%arg19 : memref<!tpu.dma_semaphore, #tpu.memory_space<semaphore_mem>>) src(%dma_wait3A_129 : memref<200x64xf32, #tpu.memory_space<hbm>>) dst(%arg11 : memref<200x64xf32, #tpu.memory_space<vmem>>)
      %add3A_130 = arith.constant 4 : i32
      %add3A_131 = arith.addi %add3A_118, %add3A_130 : i32
      %lt3A_132 = arith.constant 128 : i32
      %lt3A_133 = arith.cmpi slt, %add3A_131, %lt3A_132 : i32
      %convert_element_type3A_134 = arith.extui %lt3A_133 : i1 to i32
      %cond3A_135 = arith.constant 0 : i32
      %cond3A_136 = arith.cmpi ne, %convert_element_type3A_134, %cond3A_135 : i32
      scf.if %cond3A_136 {
        %add3A_252 = arith.constant 4 : i32
        %add3A_253 = arith.addi %add3A_118, %add3A_252 : i32
        %add3A_254 = arith.addi %mul3A_2, %add3A_253 : i32
        %dma_start3A_255 = arith.constant 0 : i32
        %dma_start3A_256 = tpu.memref_slice %arg3[%add3A_254, %dma_start3A_255] : memref<4096x200xi32, #tpu.memory_space<hbm>> -> memref<1x200xi32, #tpu.memory_space<hbm>>
        %dma_start3A_257 = tpu.memref_squeeze %dma_start3A_256 : memref<1x200xi32, #tpu.memory_space<hbm>> -> memref<200xi32, #tpu.memory_space<hbm>>
        %dma_start3A_258 = arith.constant 0 : i32
        %dma_start3A_259 = tpu.memref_slice %arg3[%add3A_254, %dma_start3A_258] : memref<4096x200xi32, #tpu.memory_space<hbm>> -> memref<1x200xi32, #tpu.memory_space<hbm>>
        %dma_start3A_260 = tpu.memref_squeeze %dma_start3A_259 : memref<1x200xi32, #tpu.memory_space<hbm>> -> memref<200xi32, #tpu.memory_space<hbm>>
        tpu.enqueue_dma source(%dma_start3A_260 : memref<200xi32, #tpu.memory_space<hbm>>) target(%arg7 : memref<200xi32, #tpu.memory_space<vmem>>) target_semaphore(%arg15 : memref<!tpu.dma_semaphore, #tpu.memory_space<semaphore_mem>>)
      } else {
      }
      %add3A_137 = arith.addi %mul3A_2, %add3A_118 : i32
      %dma_start3A_138 = arith.constant 0 : i32
      %dma_start3A_139 = arith.constant 0 : i32
      %dma_start3A_140 = tpu.memref_slice %arg5[%add3A_137, %dma_start3A_138, %dma_start3A_139] : memref<4096x200x64xf32, #tpu.memory_space<hbm>> -> memref<1x200x64xf32, #tpu.memory_space<hbm>>
      %dma_start3A_141 = tpu.memref_squeeze %dma_start3A_140 : memref<1x200x64xf32, #tpu.memory_space<hbm>> -> memref<200x64xf32, #tpu.memory_space<hbm>>
      %dma_start3A_142 = arith.constant 0 : i32
      %dma_start3A_143 = arith.constant 0 : i32
      %dma_start3A_144 = tpu.memref_slice %arg5[%add3A_137, %dma_start3A_142, %dma_start3A_143] : memref<4096x200x64xf32, #tpu.memory_space<hbm>> -> memref<1x200x64xf32, #tpu.memory_space<hbm>>
      %dma_start3A_145 = tpu.memref_squeeze %dma_start3A_144 : memref<1x200x64xf32, #tpu.memory_space<hbm>> -> memref<200x64xf32, #tpu.memory_space<hbm>>
      tpu.enqueue_dma source(%arg11 : memref<200x64xf32, #tpu.memory_space<vmem>>) target(%dma_start3A_145 : memref<200x64xf32, #tpu.memory_space<hbm>>) target_semaphore(%arg23 : memref<!tpu.dma_semaphore, #tpu.memory_space<semaphore_mem>>)
      %mul3A_146 = arith.constant 4 : i32
      %mul3A_147 = arith.muli %mul3A_146, %scan3A_113 : i32
      %add3A_148 = arith.constant 1 : i32
      %add3A_149 = arith.addi %mul3A_147, %add3A_148 : i32
      %add3A_150 = arith.constant 4 : i32
      %add3A_151 = arith.addi %add3A_149, %add3A_150 : i32
      %sub3A_152 = arith.constant 1 : i32
      %sub3A_153 = arith.subi %add3A_151, %sub3A_152 : i32
      %lt3A_154 = arith.constant 128 : i32
      %lt3A_155 = arith.cmpi slt, %sub3A_153, %lt3A_154 : i32
      %convert_element_type3A_156 = arith.extui %lt3A_155 : i1 to i32
      %cond3A_157 = arith.constant 0 : i32
      %cond3A_158 = arith.cmpi ne, %convert_element_type3A_156, %cond3A_157 : i32
      scf.if %cond3A_158 {
        %ge3A = arith.constant 4 : i32
        %ge3A_252 = arith.cmpi sge, %sub3A_153, %ge3A : i32
        %convert_element_type3A_253 = arith.extui %ge3A_252 : i1 to i32
        %cond3A_254 = arith.constant 0 : i32
        %cond3A_255 = arith.cmpi ne, %convert_element_type3A_253, %cond3A_254 : i32
        scf.if %cond3A_255 {
          %dma_wait3A_269 = arith.constant 0 : i32
          %dma_wait3A_270 = arith.constant 0 : i32
          %dma_wait3A_271 = arith.constant 0 : i32
          %dma_wait3A_272 = tpu.memref_slice %arg5[%dma_wait3A_269, %dma_wait3A_270, %dma_wait3A_271] : memref<4096x200x64xf32, #tpu.memory_space<hbm>> -> memref<1x200x64xf32, #tpu.memory_space<hbm>>
          %dma_wait3A_273 = tpu.memref_squeeze %dma_wait3A_272 : memref<1x200x64xf32, #tpu.memory_space<hbm>> -> memref<200x64xf32, #tpu.memory_space<hbm>>
          %dma_wait3A_274 = arith.constant 0 : i32
          %dma_wait3A_275 = arith.constant 0 : i32
          %dma_wait3A_276 = tpu.memref_slice %arg5[%dma_wait3A_269, %dma_wait3A_274, %dma_wait3A_275] : memref<4096x200x64xf32, #tpu.memory_space<hbm>> -> memref<1x200x64xf32, #tpu.memory_space<hbm>>
          %dma_wait3A_277 = tpu.memref_squeeze %dma_wait3A_276 : memref<1x200x64xf32, #tpu.memory_space<hbm>> -> memref<200x64xf32, #tpu.memory_space<hbm>>
          tpu.wait_dma2 semaphore(%arg23 : memref<!tpu.dma_semaphore, #tpu.memory_space<semaphore_mem>>) src(%arg11 : memref<200x64xf32, #tpu.memory_space<vmem>>) dst(%dma_wait3A_277 : memref<200x64xf32, #tpu.memory_space<hbm>>)
        } else {
        }
        %parallel_loop3A_256 = arith.constant 0 : i32
        %parallel_loop3A_257 = arith.constant 200 : i32
        %parallel_loop3A_258 = arith.constant 1 : i32
        scf.for %parallel_loop3A_269 = %parallel_loop3A_256 to %parallel_loop3A_257 step %parallel_loop3A_258  : i32 {
          %parallel_loop3A_270 = arith.index_cast %parallel_loop3A_269 : i32 to index
          %parallel_loop3A_271 = arith.constant 0 : index
          %parallel_loop3A_272 = tpu.vector_load %arg6[%parallel_loop3A_270, %parallel_loop3A_271] {strides = array<i32>} : memref<200x64xf32, #tpu.memory_space<vmem>>, vector<1x16xf32>,
          %parallel_loop3A_273 = vector.shape_cast %parallel_loop3A_272 : vector<1x16xf32> to vector<16xf32>
          %parallel_loop3A_274 = arith.index_cast %parallel_loop3A_269 : i32 to index
          %parallel_loop3A_275 = arith.constant 0 : index
          %parallel_loop3A_276 = tpu.vector_load %arg11[%parallel_loop3A_274, %parallel_loop3A_275] {strides = array<i32>} : memref<200x64xf32, #tpu.memory_space<vmem>>, vector<1x16xf32>,
          %parallel_loop3A_277 = vector.shape_cast %parallel_loop3A_276 : vector<1x16xf32> to vector<16xf32>
          %parallel_loop3A_278 = vector.shape_cast %parallel_loop3A_273 : vector<16xf32> to vector<1x16xf32>
          tpu.vector_store %arg11[%parallel_loop3A_274, %parallel_loop3A_275], %parallel_loop3A_278 {strides = array<i32>} : memref<200x64xf32, #tpu.memory_space<vmem>>, vector<1x16xf32>,
          %parallel_loop3A_279 = arith.index_cast %parallel_loop3A_269 : i32 to index
          %parallel_loop3A_280 = arith.constant 16 : index
          %parallel_loop3A_281 = tpu.vector_load %arg6[%parallel_loop3A_279, %parallel_loop3A_280] {strides = array<i32>} : memref<200x64xf32, #tpu.memory_space<vmem>>, vector<1x16xf32>,
          %parallel_loop3A_282 = vector.shape_cast %parallel_loop3A_281 : vector<1x16xf32> to vector<16xf32>
          %parallel_loop3A_283 = arith.index_cast %parallel_loop3A_269 : i32 to index
          %parallel_loop3A_284 = arith.constant 16 : index
          %parallel_loop3A_285 = tpu.vector_load %arg11[%parallel_loop3A_283, %parallel_loop3A_284] {strides = array<i32>} : memref<200x64xf32, #tpu.memory_space<vmem>>, vector<1x16xf32>,
          %parallel_loop3A_286 = vector.shape_cast %parallel_loop3A_285 : vector<1x16xf32> to vector<16xf32>
          %parallel_loop3A_287 = vector.shape_cast %parallel_loop3A_282 : vector<16xf32> to vector<1x16xf32>
          tpu.vector_store %arg11[%parallel_loop3A_283, %parallel_loop3A_284], %parallel_loop3A_287 {strides = array<i32>} : memref<200x64xf32, #tpu.memory_space<vmem>>, vector<1x16xf32>,
          %parallel_loop3A_288 = arith.index_cast %parallel_loop3A_269 : i32 to index
          %parallel_loop3A_289 = arith.constant 32 : index
          %parallel_loop3A_290 = tpu.vector_load %arg6[%parallel_loop3A_288, %parallel_loop3A_289] {strides = array<i32>} : memref<200x64xf32, #tpu.memory_space<vmem>>, vector<1x16xf32>,
          %parallel_loop3A_291 = vector.shape_cast %parallel_loop3A_290 : vector<1x16xf32> to vector<16xf32>
          %parallel_loop3A_292 = arith.index_cast %parallel_loop3A_269 : i32 to index
          %parallel_loop3A_293 = arith.constant 32 : index
          %parallel_loop3A_294 = tpu.vector_load %arg11[%parallel_loop3A_292, %parallel_loop3A_293] {strides = array<i32>} : memref<200x64xf32, #tpu.memory_space<vmem>>, vector<1x16xf32>,
          %parallel_loop3A_295 = vector.shape_cast %parallel_loop3A_294 : vector<1x16xf32> to vector<16xf32>
          %parallel_loop3A_296 = vector.shape_cast %parallel_loop3A_291 : vector<16xf32> to vector<1x16xf32>
          tpu.vector_store %arg11[%parallel_loop3A_292, %parallel_loop3A_293], %parallel_loop3A_296 {strides = array<i32>} : memref<200x64xf32, #tpu.memory_space<vmem>>, vector<1x16xf32>,
          %parallel_loop3A_297 = arith.index_cast %parallel_loop3A_269 : i32 to index
          %parallel_loop3A_298 = arith.constant 48 : index
          %parallel_loop3A_299 = tpu.vector_load %arg6[%parallel_loop3A_297, %parallel_loop3A_298] {strides = array<i32>} : memref<200x64xf32, #tpu.memory_space<vmem>>, vector<1x16xf32>,
          %parallel_loop3A_300 = vector.shape_cast %parallel_loop3A_299 : vector<1x16xf32> to vector<16xf32>
          %parallel_loop3A_301 = arith.index_cast %parallel_loop3A_269 : i32 to index
          %parallel_loop3A_302 = arith.constant 48 : index
          %parallel_loop3A_303 = tpu.vector_load %arg11[%parallel_loop3A_301, %parallel_loop3A_302] {strides = array<i32>} : memref<200x64xf32, #tpu.memory_space<vmem>>, vector<1x16xf32>,
          %parallel_loop3A_304 = vector.shape_cast %parallel_loop3A_303 : vector<1x16xf32> to vector<16xf32>
          %parallel_loop3A_305 = vector.shape_cast %parallel_loop3A_300 : vector<16xf32> to vector<1x16xf32>
          tpu.vector_store %arg11[%parallel_loop3A_301, %parallel_loop3A_302], %parallel_loop3A_305 {strides = array<i32>} : memref<200x64xf32, #tpu.memory_space<vmem>>, vector<1x16xf32>,
        } {sc.loop_unroll_factor = 8 : i64, sc.parallel_access}
        %dma_wait3A_259 = arith.constant 0 : i32
        %dma_wait3A_260 = arith.constant 0 : i32
        %dma_wait3A_261 = tpu.memref_slice %arg3[%dma_wait3A_259, %dma_wait3A_260] : memref<4096x200xi32, #tpu.memory_space<hbm>> -> memref<1x200xi32, #tpu.memory_space<hbm>>
        %dma_wait3A_262 = tpu.memref_squeeze %dma_wait3A_261 : memref<1x200xi32, #tpu.memory_space<hbm>> -> memref<200xi32, #tpu.memory_space<hbm>>
        %dma_wait3A_263 = arith.constant 0 : i32
        %dma_wait3A_264 = tpu.memref_slice %arg3[%dma_wait3A_259, %dma_wait3A_263] : memref<4096x200xi32, #tpu.memory_space<hbm>> -> memref<1x200xi32, #tpu.memory_space<hbm>>
        %dma_wait3A_265 = tpu.memref_squeeze %dma_wait3A_264 : memref<1x200xi32, #tpu.memory_space<hbm>> -> memref<200xi32, #tpu.memory_space<hbm>>
        tpu.wait_dma2 semaphore(%arg15 : memref<!tpu.dma_semaphore, #tpu.memory_space<semaphore_mem>>) src(%dma_wait3A_265 : memref<200xi32, #tpu.memory_space<hbm>>) dst(%arg7 : memref<200xi32, #tpu.memory_space<vmem>>)
        %dma_start3A_266 = arith.constant 0 : i32
        %dma_start3A_267 = arith.constant 0 : i32
        %dma_start3A_268 = tpu.memref_slice %arg2[%dma_start3A_266, %dma_start3A_267] : memref<1000000x64xf32, #tpu.memory_space<hbm>> -> memref<1000000x64xf32, #tpu.memory_space<hbm>>
        tpu.enqueue_indirect_dma source(%dma_start3A_268 : memref<1000000x64xf32, #tpu.memory_space<hbm>>) target(%arg11 : memref<200x64xf32, #tpu.memory_space<vmem>>) offsets(%arg7 : memref<200xi32, #tpu.memory_space<vmem>>) semaphore(%arg19 : memref<!tpu.dma_semaphore, #tpu.memory_space<semaphore_mem>>) {add = true}
      } else {
      }
      %dma_wait3A_159 = arith.constant 0 : i32
      %dma_wait3A_160 = arith.constant 0 : i32
      %dma_wait3A_161 = tpu.memref_slice %arg2[%dma_wait3A_159, %dma_wait3A_160] : memref<1000000x64xf32, #tpu.memory_space<hbm>> -> memref<200x64xf32, #tpu.memory_space<hbm>>
      %dma_wait3A_162 = arith.constant 0 : i32
      %dma_wait3A_163 = arith.constant 0 : i32
      %dma_wait3A_164 = tpu.memref_slice %arg2[%dma_wait3A_162, %dma_wait3A_163] : memref<1000000x64xf32, #tpu.memory_space<hbm>> -> memref<200x64xf32, #tpu.memory_space<hbm>>
      tpu.wait_dma2 semaphore(%arg20 : memref<!tpu.dma_semaphore, #tpu.memory_space<semaphore_mem>>) src(%dma_wait3A_164 : memref<200x64xf32, #tpu.memory_space<hbm>>) dst(%arg12 : memref<200x64xf32, #tpu.memory_space<vmem>>)
      %add3A_165 = arith.constant 4 : i32
      %add3A_166 = arith.addi %add3A_149, %add3A_165 : i32
      %lt3A_167 = arith.constant 128 : i32
      %lt3A_168 = arith.cmpi slt, %add3A_166, %lt3A_167 : i32
      %convert_element_type3A_169 = arith.extui %lt3A_168 : i1 to i32
      %cond3A_170 = arith.constant 0 : i32
      %cond3A_171 = arith.cmpi ne, %convert_element_type3A_169, %cond3A_170 : i32
      scf.if %cond3A_171 {
        %add3A_252 = arith.constant 4 : i32
        %add3A_253 = arith.addi %add3A_149, %add3A_252 : i32
        %add3A_254 = arith.addi %mul3A_2, %add3A_253 : i32
        %dma_start3A_255 = arith.constant 0 : i32
        %dma_start3A_256 = tpu.memref_slice %arg3[%add3A_254, %dma_start3A_255] : memref<4096x200xi32, #tpu.memory_space<hbm>> -> memref<1x200xi32, #tpu.memory_space<hbm>>
        %dma_start3A_257 = tpu.memref_squeeze %dma_start3A_256 : memref<1x200xi32, #tpu.memory_space<hbm>> -> memref<200xi32, #tpu.memory_space<hbm>>
        %dma_start3A_258 = arith.constant 0 : i32
        %dma_start3A_259 = tpu.memref_slice %arg3[%add3A_254, %dma_start3A_258] : memref<4096x200xi32, #tpu.memory_space<hbm>> -> memref<1x200xi32, #tpu.memory_space<hbm>>
        %dma_start3A_260 = tpu.memref_squeeze %dma_start3A_259 : memref<1x200xi32, #tpu.memory_space<hbm>> -> memref<200xi32, #tpu.memory_space<hbm>>
        tpu.enqueue_dma source(%dma_start3A_260 : memref<200xi32, #tpu.memory_space<hbm>>) target(%arg8 : memref<200xi32, #tpu.memory_space<vmem>>) target_semaphore(%arg16 : memref<!tpu.dma_semaphore, #tpu.memory_space<semaphore_mem>>)
      } else {
      }
      %add3A_172 = arith.addi %mul3A_2, %add3A_149 : i32
      %dma_start3A_173 = arith.constant 0 : i32
      %dma_start3A_174 = arith.constant 0 : i32
      %dma_start3A_175 = tpu.memref_slice %arg5[%add3A_172, %dma_start3A_173, %dma_start3A_174] : memref<4096x200x64xf32, #tpu.memory_space<hbm>> -> memref<1x200x64xf32, #tpu.memory_space<hbm>>
      %dma_start3A_176 = tpu.memref_squeeze %dma_start3A_175 : memref<1x200x64xf32, #tpu.memory_space<hbm>> -> memref<200x64xf32, #tpu.memory_space<hbm>>
      %dma_start3A_177 = arith.constant 0 : i32
      %dma_start3A_178 = arith.constant 0 : i32
      %dma_start3A_179 = tpu.memref_slice %arg5[%add3A_172, %dma_start3A_177, %dma_start3A_178] : memref<4096x200x64xf32, #tpu.memory_space<hbm>> -> memref<1x200x64xf32, #tpu.memory_space<hbm>>
      %dma_start3A_180 = tpu.memref_squeeze %dma_start3A_179 : memref<1x200x64xf32, #tpu.memory_space<hbm>> -> memref<200x64xf32, #tpu.memory_space<hbm>>
      tpu.enqueue_dma source(%arg12 : memref<200x64xf32, #tpu.memory_space<vmem>>) target(%dma_start3A_180 : memref<200x64xf32, #tpu.memory_space<hbm>>) target_semaphore(%arg24 : memref<!tpu.dma_semaphore, #tpu.memory_space<semaphore_mem>>)
      %mul3A_181 = arith.constant 4 : i32
      %mul3A_182 = arith.muli %mul3A_181, %scan3A_113 : i32
      %add3A_183 = arith.constant 2 : i32
      %add3A_184 = arith.addi %mul3A_182, %add3A_183 : i32
      %add3A_185 = arith.constant 4 : i32
      %add3A_186 = arith.addi %add3A_184, %add3A_185 : i32
      %sub3A_187 = arith.constant 1 : i32
      %sub3A_188 = arith.subi %add3A_186, %sub3A_187 : i32
      %lt3A_189 = arith.constant 128 : i32
      %lt3A_190 = arith.cmpi slt, %sub3A_188, %lt3A_189 : i32
      %convert_element_type3A_191 = arith.extui %lt3A_190 : i1 to i32
      %cond3A_192 = arith.constant 0 : i32
      %cond3A_193 = arith.cmpi ne, %convert_element_type3A_191, %cond3A_192 : i32
      scf.if %cond3A_193 {
        %ge3A = arith.constant 4 : i32
        %ge3A_252 = arith.cmpi sge, %sub3A_188, %ge3A : i32
        %convert_element_type3A_253 = arith.extui %ge3A_252 : i1 to i32
        %cond3A_254 = arith.constant 0 : i32
        %cond3A_255 = arith.cmpi ne, %convert_element_type3A_253, %cond3A_254 : i32
        scf.if %cond3A_255 {
          %dma_wait3A_269 = arith.constant 0 : i32
          %dma_wait3A_270 = arith.constant 0 : i32
          %dma_wait3A_271 = arith.constant 0 : i32
          %dma_wait3A_272 = tpu.memref_slice %arg5[%dma_wait3A_269, %dma_wait3A_270, %dma_wait3A_271] : memref<4096x200x64xf32, #tpu.memory_space<hbm>> -> memref<1x200x64xf32, #tpu.memory_space<hbm>>
          %dma_wait3A_273 = tpu.memref_squeeze %dma_wait3A_272 : memref<1x200x64xf32, #tpu.memory_space<hbm>> -> memref<200x64xf32, #tpu.memory_space<hbm>>
          %dma_wait3A_274 = arith.constant 0 : i32
          %dma_wait3A_275 = arith.constant 0 : i32
          %dma_wait3A_276 = tpu.memref_slice %arg5[%dma_wait3A_269, %dma_wait3A_274, %dma_wait3A_275] : memref<4096x200x64xf32, #tpu.memory_space<hbm>> -> memref<1x200x64xf32, #tpu.memory_space<hbm>>
          %dma_wait3A_277 = tpu.memref_squeeze %dma_wait3A_276 : memref<1x200x64xf32, #tpu.memory_space<hbm>> -> memref<200x64xf32, #tpu.memory_space<hbm>>
          tpu.wait_dma2 semaphore(%arg24 : memref<!tpu.dma_semaphore, #tpu.memory_space<semaphore_mem>>) src(%arg12 : memref<200x64xf32, #tpu.memory_space<vmem>>) dst(%dma_wait3A_277 : memref<200x64xf32, #tpu.memory_space<hbm>>)
        } else {
        }
        %parallel_loop3A_256 = arith.constant 0 : i32
        %parallel_loop3A_257 = arith.constant 200 : i32
        %parallel_loop3A_258 = arith.constant 1 : i32
        scf.for %parallel_loop3A_269 = %parallel_loop3A_256 to %parallel_loop3A_257 step %parallel_loop3A_258  : i32 {
          %parallel_loop3A_270 = arith.index_cast %parallel_loop3A_269 : i32 to index
          %parallel_loop3A_271 = arith.constant 0 : index
          %parallel_loop3A_272 = tpu.vector_load %arg6[%parallel_loop3A_270, %parallel_loop3A_271] {strides = array<i32>} : memref<200x64xf32, #tpu.memory_space<vmem>>, vector<1x16xf32>,
          %parallel_loop3A_273 = vector.shape_cast %parallel_loop3A_272 : vector<1x16xf32> to vector<16xf32>
          %parallel_loop3A_274 = arith.index_cast %parallel_loop3A_269 : i32 to index
          %parallel_loop3A_275 = arith.constant 0 : index
          %parallel_loop3A_276 = tpu.vector_load %arg12[%parallel_loop3A_274, %parallel_loop3A_275] {strides = array<i32>} : memref<200x64xf32, #tpu.memory_space<vmem>>, vector<1x16xf32>,
          %parallel_loop3A_277 = vector.shape_cast %parallel_loop3A_276 : vector<1x16xf32> to vector<16xf32>
          %parallel_loop3A_278 = vector.shape_cast %parallel_loop3A_273 : vector<16xf32> to vector<1x16xf32>
          tpu.vector_store %arg12[%parallel_loop3A_274, %parallel_loop3A_275], %parallel_loop3A_278 {strides = array<i32>} : memref<200x64xf32, #tpu.memory_space<vmem>>, vector<1x16xf32>,
          %parallel_loop3A_279 = arith.index_cast %parallel_loop3A_269 : i32 to index
          %parallel_loop3A_280 = arith.constant 16 : index
          %parallel_loop3A_281 = tpu.vector_load %arg6[%parallel_loop3A_279, %parallel_loop3A_280] {strides = array<i32>} : memref<200x64xf32, #tpu.memory_space<vmem>>, vector<1x16xf32>,
          %parallel_loop3A_282 = vector.shape_cast %parallel_loop3A_281 : vector<1x16xf32> to vector<16xf32>
          %parallel_loop3A_283 = arith.index_cast %parallel_loop3A_269 : i32 to index
          %parallel_loop3A_284 = arith.constant 16 : index
          %parallel_loop3A_285 = tpu.vector_load %arg12[%parallel_loop3A_283, %parallel_loop3A_284] {strides = array<i32>} : memref<200x64xf32, #tpu.memory_space<vmem>>, vector<1x16xf32>,
          %parallel_loop3A_286 = vector.shape_cast %parallel_loop3A_285 : vector<1x16xf32> to vector<16xf32>
          %parallel_loop3A_287 = vector.shape_cast %parallel_loop3A_282 : vector<16xf32> to vector<1x16xf32>
          tpu.vector_store %arg12[%parallel_loop3A_283, %parallel_loop3A_284], %parallel_loop3A_287 {strides = array<i32>} : memref<200x64xf32, #tpu.memory_space<vmem>>, vector<1x16xf32>,
          %parallel_loop3A_288 = arith.index_cast %parallel_loop3A_269 : i32 to index
          %parallel_loop3A_289 = arith.constant 32 : index
          %parallel_loop3A_290 = tpu.vector_load %arg6[%parallel_loop3A_288, %parallel_loop3A_289] {strides = array<i32>} : memref<200x64xf32, #tpu.memory_space<vmem>>, vector<1x16xf32>,
          %parallel_loop3A_291 = vector.shape_cast %parallel_loop3A_290 : vector<1x16xf32> to vector<16xf32>
          %parallel_loop3A_292 = arith.index_cast %parallel_loop3A_269 : i32 to index
          %parallel_loop3A_293 = arith.constant 32 : index
          %parallel_loop3A_294 = tpu.vector_load %arg12[%parallel_loop3A_292, %parallel_loop3A_293] {strides = array<i32>} : memref<200x64xf32, #tpu.memory_space<vmem>>, vector<1x16xf32>,
          %parallel_loop3A_295 = vector.shape_cast %parallel_loop3A_294 : vector<1x16xf32> to vector<16xf32>
          %parallel_loop3A_296 = vector.shape_cast %parallel_loop3A_291 : vector<16xf32> to vector<1x16xf32>
          tpu.vector_store %arg12[%parallel_loop3A_292, %parallel_loop3A_293], %parallel_loop3A_296 {strides = array<i32>} : memref<200x64xf32, #tpu.memory_space<vmem>>, vector<1x16xf32>,
          %parallel_loop3A_297 = arith.index_cast %parallel_loop3A_269 : i32 to index
          %parallel_loop3A_298 = arith.constant 48 : index
          %parallel_loop3A_299 = tpu.vector_load %arg6[%parallel_loop3A_297, %parallel_loop3A_298] {strides = array<i32>} : memref<200x64xf32, #tpu.memory_space<vmem>>, vector<1x16xf32>,
          %parallel_loop3A_300 = vector.shape_cast %parallel_loop3A_299 : vector<1x16xf32> to vector<16xf32>
          %parallel_loop3A_301 = arith.index_cast %parallel_loop3A_269 : i32 to index
          %parallel_loop3A_302 = arith.constant 48 : index
          %parallel_loop3A_303 = tpu.vector_load %arg12[%parallel_loop3A_301, %parallel_loop3A_302] {strides = array<i32>} : memref<200x64xf32, #tpu.memory_space<vmem>>, vector<1x16xf32>,
          %parallel_loop3A_304 = vector.shape_cast %parallel_loop3A_303 : vector<1x16xf32> to vector<16xf32>
          %parallel_loop3A_305 = vector.shape_cast %parallel_loop3A_300 : vector<16xf32> to vector<1x16xf32>
          tpu.vector_store %arg12[%parallel_loop3A_301, %parallel_loop3A_302], %parallel_loop3A_305 {strides = array<i32>} : memref<200x64xf32, #tpu.memory_space<vmem>>, vector<1x16xf32>,
        } {sc.loop_unroll_factor = 8 : i64, sc.parallel_access}
        %dma_wait3A_259 = arith.constant 0 : i32
        %dma_wait3A_260 = arith.constant 0 : i32
        %dma_wait3A_261 = tpu.memref_slice %arg3[%dma_wait3A_259, %dma_wait3A_260] : memref<4096x200xi32, #tpu.memory_space<hbm>> -> memref<1x200xi32, #tpu.memory_space<hbm>>
        %dma_wait3A_262 = tpu.memref_squeeze %dma_wait3A_261 : memref<1x200xi32, #tpu.memory_space<hbm>> -> memref<200xi32, #tpu.memory_space<hbm>>
        %dma_wait3A_263 = arith.constant 0 : i32
        %dma_wait3A_264 = tpu.memref_slice %arg3[%dma_wait3A_259, %dma_wait3A_263] : memref<4096x200xi32, #tpu.memory_space<hbm>> -> memref<1x200xi32, #tpu.memory_space<hbm>>
        %dma_wait3A_265 = tpu.memref_squeeze %dma_wait3A_264 : memref<1x200xi32, #tpu.memory_space<hbm>> -> memref<200xi32, #tpu.memory_space<hbm>>
        tpu.wait_dma2 semaphore(%arg16 : memref<!tpu.dma_semaphore, #tpu.memory_space<semaphore_mem>>) src(%dma_wait3A_265 : memref<200xi32, #tpu.memory_space<hbm>>) dst(%arg8 : memref<200xi32, #tpu.memory_space<vmem>>)
        %dma_start3A_266 = arith.constant 0 : i32
        %dma_start3A_267 = arith.constant 0 : i32
        %dma_start3A_268 = tpu.memref_slice %arg2[%dma_start3A_266, %dma_start3A_267] : memref<1000000x64xf32, #tpu.memory_space<hbm>> -> memref<1000000x64xf32, #tpu.memory_space<hbm>>
        tpu.enqueue_indirect_dma source(%dma_start3A_268 : memref<1000000x64xf32, #tpu.memory_space<hbm>>) target(%arg12 : memref<200x64xf32, #tpu.memory_space<vmem>>) offsets(%arg8 : memref<200xi32, #tpu.memory_space<vmem>>) semaphore(%arg20 : memref<!tpu.dma_semaphore, #tpu.memory_space<semaphore_mem>>) {add = true}
      } else {
      }
      %dma_wait3A_194 = arith.constant 0 : i32
      %dma_wait3A_195 = arith.constant 0 : i32
      %dma_wait3A_196 = tpu.memref_slice %arg2[%dma_wait3A_194, %dma_wait3A_195] : memref<1000000x64xf32, #tpu.memory_space<hbm>> -> memref<200x64xf32, #tpu.memory_space<hbm>>
      %dma_wait3A_197 = arith.constant 0 : i32
      %dma_wait3A_198 = arith.constant 0 : i32
      %dma_wait3A_199 = tpu.memref_slice %arg2[%dma_wait3A_197, %dma_wait3A_198] : memref<1000000x64xf32, #tpu.memory_space<hbm>> -> memref<200x64xf32, #tpu.memory_space<hbm>>
      tpu.wait_dma2 semaphore(%arg21 : memref<!tpu.dma_semaphore, #tpu.memory_space<semaphore_mem>>) src(%dma_wait3A_199 : memref<200x64xf32, #tpu.memory_space<hbm>>) dst(%arg13 : memref<200x64xf32, #tpu.memory_space<vmem>>)
      %add3A_200 = arith.constant 4 : i32
      %add3A_201 = arith.addi %add3A_184, %add3A_200 : i32
      %lt3A_202 = arith.constant 128 : i32
      %lt3A_203 = arith.cmpi slt, %add3A_201, %lt3A_202 : i32
      %convert_element_type3A_204 = arith.extui %lt3A_203 : i1 to i32
      %cond3A_205 = arith.constant 0 : i32
      %cond3A_206 = arith.cmpi ne, %convert_element_type3A_204, %cond3A_205 : i32
      scf.if %cond3A_206 {
        %add3A_252 = arith.constant 4 : i32
        %add3A_253 = arith.addi %add3A_184, %add3A_252 : i32
        %add3A_254 = arith.addi %mul3A_2, %add3A_253 : i32
        %dma_start3A_255 = arith.constant 0 : i32
        %dma_start3A_256 = tpu.memref_slice %arg3[%add3A_254, %dma_start3A_255] : memref<4096x200xi32, #tpu.memory_space<hbm>> -> memref<1x200xi32, #tpu.memory_space<hbm>>
        %dma_start3A_257 = tpu.memref_squeeze %dma_start3A_256 : memref<1x200xi32, #tpu.memory_space<hbm>> -> memref<200xi32, #tpu.memory_space<hbm>>
        %dma_start3A_258 = arith.constant 0 : i32
        %dma_start3A_259 = tpu.memref_slice %arg3[%add3A_254, %dma_start3A_258] : memref<4096x200xi32, #tpu.memory_space<hbm>> -> memref<1x200xi32, #tpu.memory_space<hbm>>
        %dma_start3A_260 = tpu.memref_squeeze %dma_start3A_259 : memref<1x200xi32, #tpu.memory_space<hbm>> -> memref<200xi32, #tpu.memory_space<hbm>>
        tpu.enqueue_dma source(%dma_start3A_260 : memref<200xi32, #tpu.memory_space<hbm>>) target(%arg9 : memref<200xi32, #tpu.memory_space<vmem>>) target_semaphore(%arg17 : memref<!tpu.dma_semaphore, #tpu.memory_space<semaphore_mem>>)
      } else {
      }
      %add3A_207 = arith.addi %mul3A_2, %add3A_184 : i32
      %dma_start3A_208 = arith.constant 0 : i32
      %dma_start3A_209 = arith.constant 0 : i32
      %dma_start3A_210 = tpu.memref_slice %arg5[%add3A_207, %dma_start3A_208, %dma_start3A_209] : memref<4096x200x64xf32, #tpu.memory_space<hbm>> -> memref<1x200x64xf32, #tpu.memory_space<hbm>>
      %dma_start3A_211 = tpu.memref_squeeze %dma_start3A_210 : memref<1x200x64xf32, #tpu.memory_space<hbm>> -> memref<200x64xf32, #tpu.memory_space<hbm>>
      %dma_start3A_212 = arith.constant 0 : i32
      %dma_start3A_213 = arith.constant 0 : i32
      %dma_start3A_214 = tpu.memref_slice %arg5[%add3A_207, %dma_start3A_212, %dma_start3A_213] : memref<4096x200x64xf32, #tpu.memory_space<hbm>> -> memref<1x200x64xf32, #tpu.memory_space<hbm>>
      %dma_start3A_215 = tpu.memref_squeeze %dma_start3A_214 : memref<1x200x64xf32, #tpu.memory_space<hbm>> -> memref<200x64xf32, #tpu.memory_space<hbm>>
      tpu.enqueue_dma source(%arg13 : memref<200x64xf32, #tpu.memory_space<vmem>>) target(%dma_start3A_215 : memref<200x64xf32, #tpu.memory_space<hbm>>) target_semaphore(%arg25 : memref<!tpu.dma_semaphore, #tpu.memory_space<semaphore_mem>>)
      %mul3A_216 = arith.constant 4 : i32
      %mul3A_217 = arith.muli %mul3A_216, %scan3A_113 : i32
      %add3A_218 = arith.constant 3 : i32
      %add3A_219 = arith.addi %mul3A_217, %add3A_218 : i32
      %add3A_220 = arith.constant 4 : i32
      %add3A_221 = arith.addi %add3A_219, %add3A_220 : i32
      %sub3A_222 = arith.constant 1 : i32
      %sub3A_223 = arith.subi %add3A_221, %sub3A_222 : i32
      %lt3A_224 = arith.constant 128 : i32
      %lt3A_225 = arith.cmpi slt, %sub3A_223, %lt3A_224 : i32
      %convert_element_type3A_226 = arith.extui %lt3A_225 : i1 to i32
      %cond3A_227 = arith.constant 0 : i32
      %cond3A_228 = arith.cmpi ne, %convert_element_type3A_226, %cond3A_227 : i32
      scf.if %cond3A_228 {
        %ge3A = arith.constant 4 : i32
        %ge3A_252 = arith.cmpi sge, %sub3A_223, %ge3A : i32
        %convert_element_type3A_253 = arith.extui %ge3A_252 : i1 to i32
        %cond3A_254 = arith.constant 0 : i32
        %cond3A_255 = arith.cmpi ne, %convert_element_type3A_253, %cond3A_254 : i32
        scf.if %cond3A_255 {
          %dma_wait3A_269 = arith.constant 0 : i32
          %dma_wait3A_270 = arith.constant 0 : i32
          %dma_wait3A_271 = arith.constant 0 : i32
          %dma_wait3A_272 = tpu.memref_slice %arg5[%dma_wait3A_269, %dma_wait3A_270, %dma_wait3A_271] : memref<4096x200x64xf32, #tpu.memory_space<hbm>> -> memref<1x200x64xf32, #tpu.memory_space<hbm>>
          %dma_wait3A_273 = tpu.memref_squeeze %dma_wait3A_272 : memref<1x200x64xf32, #tpu.memory_space<hbm>> -> memref<200x64xf32, #tpu.memory_space<hbm>>
          %dma_wait3A_274 = arith.constant 0 : i32
          %dma_wait3A_275 = arith.constant 0 : i32
          %dma_wait3A_276 = tpu.memref_slice %arg5[%dma_wait3A_269, %dma_wait3A_274, %dma_wait3A_275] : memref<4096x200x64xf32, #tpu.memory_space<hbm>> -> memref<1x200x64xf32, #tpu.memory_space<hbm>>
          %dma_wait3A_277 = tpu.memref_squeeze %dma_wait3A_276 : memref<1x200x64xf32, #tpu.memory_space<hbm>> -> memref<200x64xf32, #tpu.memory_space<hbm>>
          tpu.wait_dma2 semaphore(%arg25 : memref<!tpu.dma_semaphore, #tpu.memory_space<semaphore_mem>>) src(%arg13 : memref<200x64xf32, #tpu.memory_space<vmem>>) dst(%dma_wait3A_277 : memref<200x64xf32, #tpu.memory_space<hbm>>)
        } else {
        }
        %parallel_loop3A_256 = arith.constant 0 : i32
        %parallel_loop3A_257 = arith.constant 200 : i32
        %parallel_loop3A_258 = arith.constant 1 : i32
        scf.for %parallel_loop3A_269 = %parallel_loop3A_256 to %parallel_loop3A_257 step %parallel_loop3A_258  : i32 {
          %parallel_loop3A_270 = arith.index_cast %parallel_loop3A_269 : i32 to index
          %parallel_loop3A_271 = arith.constant 0 : index
          %parallel_loop3A_272 = tpu.vector_load %arg6[%parallel_loop3A_270, %parallel_loop3A_271] {strides = array<i32>} : memref<200x64xf32, #tpu.memory_space<vmem>>, vector<1x16xf32>,
          %parallel_loop3A_273 = vector.shape_cast %parallel_loop3A_272 : vector<1x16xf32> to vector<16xf32>
          %parallel_loop3A_274 = arith.index_cast %parallel_loop3A_269 : i32 to index
          %parallel_loop3A_275 = arith.constant 0 : index
          %parallel_loop3A_276 = tpu.vector_load %arg13[%parallel_loop3A_274, %parallel_loop3A_275] {strides = array<i32>} : memref<200x64xf32, #tpu.memory_space<vmem>>, vector<1x16xf32>,
          %parallel_loop3A_277 = vector.shape_cast %parallel_loop3A_276 : vector<1x16xf32> to vector<16xf32>
          %parallel_loop3A_278 = vector.shape_cast %parallel_loop3A_273 : vector<16xf32> to vector<1x16xf32>
          tpu.vector_store %arg13[%parallel_loop3A_274, %parallel_loop3A_275], %parallel_loop3A_278 {strides = array<i32>} : memref<200x64xf32, #tpu.memory_space<vmem>>, vector<1x16xf32>,
          %parallel_loop3A_279 = arith.index_cast %parallel_loop3A_269 : i32 to index
          %parallel_loop3A_280 = arith.constant 16 : index
          %parallel_loop3A_281 = tpu.vector_load %arg6[%parallel_loop3A_279, %parallel_loop3A_280] {strides = array<i32>} : memref<200x64xf32, #tpu.memory_space<vmem>>, vector<1x16xf32>,
          %parallel_loop3A_282 = vector.shape_cast %parallel_loop3A_281 : vector<1x16xf32> to vector<16xf32>
          %parallel_loop3A_283 = arith.index_cast %parallel_loop3A_269 : i32 to index
          %parallel_loop3A_284 = arith.constant 16 : index
          %parallel_loop3A_285 = tpu.vector_load %arg13[%parallel_loop3A_283, %parallel_loop3A_284] {strides = array<i32>} : memref<200x64xf32, #tpu.memory_space<vmem>>, vector<1x16xf32>,
          %parallel_loop3A_286 = vector.shape_cast %parallel_loop3A_285 : vector<1x16xf32> to vector<16xf32>
          %parallel_loop3A_287 = vector.shape_cast %parallel_loop3A_282 : vector<16xf32> to vector<1x16xf32>
          tpu.vector_store %arg13[%parallel_loop3A_283, %parallel_loop3A_284], %parallel_loop3A_287 {strides = array<i32>} : memref<200x64xf32, #tpu.memory_space<vmem>>, vector<1x16xf32>,
          %parallel_loop3A_288 = arith.index_cast %parallel_loop3A_269 : i32 to index
          %parallel_loop3A_289 = arith.constant 32 : index
          %parallel_loop3A_290 = tpu.vector_load %arg6[%parallel_loop3A_288, %parallel_loop3A_289] {strides = array<i32>} : memref<200x64xf32, #tpu.memory_space<vmem>>, vector<1x16xf32>,
          %parallel_loop3A_291 = vector.shape_cast %parallel_loop3A_290 : vector<1x16xf32> to vector<16xf32>
          %parallel_loop3A_292 = arith.index_cast %parallel_loop3A_269 : i32 to index
          %parallel_loop3A_293 = arith.constant 32 : index
          %parallel_loop3A_294 = tpu.vector_load %arg13[%parallel_loop3A_292, %parallel_loop3A_293] {strides = array<i32>} : memref<200x64xf32, #tpu.memory_space<vmem>>, vector<1x16xf32>,
          %parallel_loop3A_295 = vector.shape_cast %parallel_loop3A_294 : vector<1x16xf32> to vector<16xf32>
          %parallel_loop3A_296 = vector.shape_cast %parallel_loop3A_291 : vector<16xf32> to vector<1x16xf32>
          tpu.vector_store %arg13[%parallel_loop3A_292, %parallel_loop3A_293], %parallel_loop3A_296 {strides = array<i32>} : memref<200x64xf32, #tpu.memory_space<vmem>>, vector<1x16xf32>,
          %parallel_loop3A_297 = arith.index_cast %parallel_loop3A_269 : i32 to index
          %parallel_loop3A_298 = arith.constant 48 : index
          %parallel_loop3A_299 = tpu.vector_load %arg6[%parallel_loop3A_297, %parallel_loop3A_298] {strides = array<i32>} : memref<200x64xf32, #tpu.memory_space<vmem>>, vector<1x16xf32>,
          %parallel_loop3A_300 = vector.shape_cast %parallel_loop3A_299 : vector<1x16xf32> to vector<16xf32>
          %parallel_loop3A_301 = arith.index_cast %parallel_loop3A_269 : i32 to index
          %parallel_loop3A_302 = arith.constant 48 : index
          %parallel_loop3A_303 = tpu.vector_load %arg13[%parallel_loop3A_301, %parallel_loop3A_302] {strides = array<i32>} : memref<200x64xf32, #tpu.memory_space<vmem>>, vector<1x16xf32>,
          %parallel_loop3A_304 = vector.shape_cast %parallel_loop3A_303 : vector<1x16xf32> to vector<16xf32>
          %parallel_loop3A_305 = vector.shape_cast %parallel_loop3A_300 : vector<16xf32> to vector<1x16xf32>
          tpu.vector_store %arg13[%parallel_loop3A_301, %parallel_loop3A_302], %parallel_loop3A_305 {strides = array<i32>} : memref<200x64xf32, #tpu.memory_space<vmem>>, vector<1x16xf32>,
        } {sc.loop_unroll_factor = 8 : i64, sc.parallel_access}
        %dma_wait3A_259 = arith.constant 0 : i32
        %dma_wait3A_260 = arith.constant 0 : i32
        %dma_wait3A_261 = tpu.memref_slice %arg3[%dma_wait3A_259, %dma_wait3A_260] : memref<4096x200xi32, #tpu.memory_space<hbm>> -> memref<1x200xi32, #tpu.memory_space<hbm>>
        %dma_wait3A_262 = tpu.memref_squeeze %dma_wait3A_261 : memref<1x200xi32, #tpu.memory_space<hbm>> -> memref<200xi32, #tpu.memory_space<hbm>>
        %dma_wait3A_263 = arith.constant 0 : i32
        %dma_wait3A_264 = tpu.memref_slice %arg3[%dma_wait3A_259, %dma_wait3A_263] : memref<4096x200xi32, #tpu.memory_space<hbm>> -> memref<1x200xi32, #tpu.memory_space<hbm>>
        %dma_wait3A_265 = tpu.memref_squeeze %dma_wait3A_264 : memref<1x200xi32, #tpu.memory_space<hbm>> -> memref<200xi32, #tpu.memory_space<hbm>>
        tpu.wait_dma2 semaphore(%arg17 : memref<!tpu.dma_semaphore, #tpu.memory_space<semaphore_mem>>) src(%dma_wait3A_265 : memref<200xi32, #tpu.memory_space<hbm>>) dst(%arg9 : memref<200xi32, #tpu.memory_space<vmem>>)
        %dma_start3A_266 = arith.constant 0 : i32
        %dma_start3A_267 = arith.constant 0 : i32
        %dma_start3A_268 = tpu.memref_slice %arg2[%dma_start3A_266, %dma_start3A_267] : memref<1000000x64xf32, #tpu.memory_space<hbm>> -> memref<1000000x64xf32, #tpu.memory_space<hbm>>
        tpu.enqueue_indirect_dma source(%dma_start3A_268 : memref<1000000x64xf32, #tpu.memory_space<hbm>>) target(%arg13 : memref<200x64xf32, #tpu.memory_space<vmem>>) offsets(%arg9 : memref<200xi32, #tpu.memory_space<vmem>>) semaphore(%arg21 : memref<!tpu.dma_semaphore, #tpu.memory_space<semaphore_mem>>) {add = true}
      } else {
      }
      %dma_wait3A_229 = arith.constant 0 : i32
      %dma_wait3A_230 = arith.constant 0 : i32
      %dma_wait3A_231 = tpu.memref_slice %arg2[%dma_wait3A_229, %dma_wait3A_230] : memref<1000000x64xf32, #tpu.memory_space<hbm>> -> memref<200x64xf32, #tpu.memory_space<hbm>>
      %dma_wait3A_232 = arith.constant 0 : i32
      %dma_wait3A_233 = arith.constant 0 : i32
      %dma_wait3A_234 = tpu.memref_slice %arg2[%dma_wait3A_232, %dma_wait3A_233] : memref<1000000x64xf32, #tpu.memory_space<hbm>> -> memref<200x64xf32, #tpu.memory_space<hbm>>
      tpu.wait_dma2 semaphore(%arg22 : memref<!tpu.dma_semaphore, #tpu.memory_space<semaphore_mem>>) src(%dma_wait3A_234 : memref<200x64xf32, #tpu.memory_space<hbm>>) dst(%arg14 : memref<200x64xf32, #tpu.memory_space<vmem>>)
      %add3A_235 = arith.constant 4 : i32
      %add3A_236 = arith.addi %add3A_219, %add3A_235 : i32
      %lt3A_237 = arith.constant 128 : i32
      %lt3A_238 = arith.cmpi slt, %add3A_236, %lt3A_237 : i32
      %convert_element_type3A_239 = arith.extui %lt3A_238 : i1 to i32
      %cond3A_240 = arith.constant 0 : i32
      %cond3A_241 = arith.cmpi ne, %convert_element_type3A_239, %cond3A_240 : i32
      scf.if %cond3A_241 {
        %add3A_252 = arith.constant 4 : i32
        %add3A_253 = arith.addi %add3A_219, %add3A_252 : i32
        %add3A_254 = arith.addi %mul3A_2, %add3A_253 : i32
        %dma_start3A_255 = arith.constant 0 : i32
        %dma_start3A_256 = tpu.memref_slice %arg3[%add3A_254, %dma_start3A_255] : memref<4096x200xi32, #tpu.memory_space<hbm>> -> memref<1x200xi32, #tpu.memory_space<hbm>>
        %dma_start3A_257 = tpu.memref_squeeze %dma_start3A_256 : memref<1x200xi32, #tpu.memory_space<hbm>> -> memref<200xi32, #tpu.memory_space<hbm>>
        %dma_start3A_258 = arith.constant 0 : i32
        %dma_start3A_259 = tpu.memref_slice %arg3[%add3A_254, %dma_start3A_258] : memref<4096x200xi32, #tpu.memory_space<hbm>> -> memref<1x200xi32, #tpu.memory_space<hbm>>
        %dma_start3A_260 = tpu.memref_squeeze %dma_start3A_259 : memref<1x200xi32, #tpu.memory_space<hbm>> -> memref<200xi32, #tpu.memory_space<hbm>>
        tpu.enqueue_dma source(%dma_start3A_260 : memref<200xi32, #tpu.memory_space<hbm>>) target(%arg10 : memref<200xi32, #tpu.memory_space<vmem>>) target_semaphore(%arg18 : memref<!tpu.dma_semaphore, #tpu.memory_space<semaphore_mem>>)
      } else {
      }
      %add3A_242 = arith.addi %mul3A_2, %add3A_219 : i32
      %dma_start3A_243 = arith.constant 0 : i32
      %dma_start3A_244 = arith.constant 0 : i32
      %dma_start3A_245 = tpu.memref_slice %arg5[%add3A_242, %dma_start3A_243, %dma_start3A_244] : memref<4096x200x64xf32, #tpu.memory_space<hbm>> -> memref<1x200x64xf32, #tpu.memory_space<hbm>>
      %dma_start3A_246 = tpu.memref_squeeze %dma_start3A_245 : memref<1x200x64xf32, #tpu.memory_space<hbm>> -> memref<200x64xf32, #tpu.memory_space<hbm>>
      %dma_start3A_247 = arith.constant 0 : i32
      %dma_start3A_248 = arith.constant 0 : i32
      %dma_start3A_249 = tpu.memref_slice %arg5[%add3A_242, %dma_start3A_247, %dma_start3A_248] : memref<4096x200x64xf32, #tpu.memory_space<hbm>> -> memref<1x200x64xf32, #tpu.memory_space<hbm>>
      %dma_start3A_250 = tpu.memref_squeeze %dma_start3A_249 : memref<1x200x64xf32, #tpu.memory_space<hbm>> -> memref<200x64xf32, #tpu.memory_space<hbm>>
      tpu.enqueue_dma source(%arg14 : memref<200x64xf32, #tpu.memory_space<vmem>>) target(%dma_start3A_250 : memref<200x64xf32, #tpu.memory_space<hbm>>) target_semaphore(%arg26 : memref<!tpu.dma_semaphore, #tpu.memory_space<semaphore_mem>>)
      %scan3A_251 = arith.constant 0 : i32
      scf.yield %scan3A_251 : i32
    }
    %scan3A_76 = arith.constant 32 : i32
    %dma_wait3A_77 = arith.constant 0 : i32
    %dma_wait3A_78 = arith.constant 0 : i32
    %dma_wait3A_79 = arith.constant 0 : i32
    %dma_wait3A_80 = tpu.memref_slice %arg5[%dma_wait3A_77, %dma_wait3A_78, %dma_wait3A_79] : memref<4096x200x64xf32, #tpu.memory_space<hbm>> -> memref<1x200x64xf32, #tpu.memory_space<hbm>>
    %dma_wait3A_81 = tpu.memref_squeeze %dma_wait3A_80 : memref<1x200x64xf32, #tpu.memory_space<hbm>> -> memref<200x64xf32, #tpu.memory_space<hbm>>
    %dma_wait3A_82 = arith.constant 0 : i32
    %dma_wait3A_83 = arith.constant 0 : i32
    %dma_wait3A_84 = tpu.memref_slice %arg5[%dma_wait3A_77, %dma_wait3A_82, %dma_wait3A_83] : memref<4096x200x64xf32, #tpu.memory_space<hbm>> -> memref<1x200x64xf32, #tpu.memory_space<hbm>>
    %dma_wait3A_85 = tpu.memref_squeeze %dma_wait3A_84 : memref<1x200x64xf32, #tpu.memory_space<hbm>> -> memref<200x64xf32, #tpu.memory_space<hbm>>
    tpu.wait_dma2 semaphore(%arg23 : memref<!tpu.dma_semaphore, #tpu.memory_space<semaphore_mem>>) src(%arg11 : memref<200x64xf32, #tpu.memory_space<vmem>>) dst(%dma_wait3A_85 : memref<200x64xf32, #tpu.memory_space<hbm>>)
    %dma_wait3A_86 = arith.constant 0 : i32
    %dma_wait3A_87 = arith.constant 0 : i32
    %dma_wait3A_88 = arith.constant 0 : i32
    %dma_wait3A_89 = tpu.memref_slice %arg5[%dma_wait3A_86, %dma_wait3A_87, %dma_wait3A_88] : memref<4096x200x64xf32, #tpu.memory_space<hbm>> -> memref<1x200x64xf32, #tpu.memory_space<hbm>>
    %dma_wait3A_90 = tpu.memref_squeeze %dma_wait3A_89 : memref<1x200x64xf32, #tpu.memory_space<hbm>> -> memref<200x64xf32, #tpu.memory_space<hbm>>
    %dma_wait3A_91 = arith.constant 0 : i32
    %dma_wait3A_92 = arith.constant 0 : i32
    %dma_wait3A_93 = tpu.memref_slice %arg5[%dma_wait3A_86, %dma_wait3A_91, %dma_wait3A_92] : memref<4096x200x64xf32, #tpu.memory_space<hbm>> -> memref<1x200x64xf32, #tpu.memory_space<hbm>>
    %dma_wait3A_94 = tpu.memref_squeeze %dma_wait3A_93 : memref<1x200x64xf32, #tpu.memory_space<hbm>> -> memref<200x64xf32, #tpu.memory_space<hbm>>
    tpu.wait_dma2 semaphore(%arg24 : memref<!tpu.dma_semaphore, #tpu.memory_space<semaphore_mem>>) src(%arg12 : memref<200x64xf32, #tpu.memory_space<vmem>>) dst(%dma_wait3A_94 : memref<200x64xf32, #tpu.memory_space<hbm>>)
    %dma_wait3A_95 = arith.constant 0 : i32
    %dma_wait3A_96 = arith.constant 0 : i32
    %dma_wait3A_97 = arith.constant 0 : i32
    %dma_wait3A_98 = tpu.memref_slice %arg5[%dma_wait3A_95, %dma_wait3A_96, %dma_wait3A_97] : memref<4096x200x64xf32, #tpu.memory_space<hbm>> -> memref<1x200x64xf32, #tpu.memory_space<hbm>>
    %dma_wait3A_99 = tpu.memref_squeeze %dma_wait3A_98 : memref<1x200x64xf32, #tpu.memory_space<hbm>> -> memref<200x64xf32, #tpu.memory_space<hbm>>
    %dma_wait3A_100 = arith.constant 0 : i32
    %dma_wait3A_101 = arith.constant 0 : i32
    %dma_wait3A_102 = tpu.memref_slice %arg5[%dma_wait3A_95, %dma_wait3A_100, %dma_wait3A_101] : memref<4096x200x64xf32, #tpu.memory_space<hbm>> -> memref<1x200x64xf32, #tpu.memory_space<hbm>>
    %dma_wait3A_103 = tpu.memref_squeeze %dma_wait3A_102 : memref<1x200x64xf32, #tpu.memory_space<hbm>> -> memref<200x64xf32, #tpu.memory_space<hbm>>
    tpu.wait_dma2 semaphore(%arg25 : memref<!tpu.dma_semaphore, #tpu.memory_space<semaphore_mem>>) src(%arg13 : memref<200x64xf32, #tpu.memory_space<vmem>>) dst(%dma_wait3A_103 : memref<200x64xf32, #tpu.memory_space<hbm>>)
    %dma_wait3A_104 = arith.constant 0 : i32
    %dma_wait3A_105 = arith.constant 0 : i32
    %dma_wait3A_106 = arith.constant 0 : i32
    %dma_wait3A_107 = tpu.memref_slice %arg5[%dma_wait3A_104, %dma_wait3A_105, %dma_wait3A_106] : memref<4096x200x64xf32, #tpu.memory_space<hbm>> -> memref<1x200x64xf32, #tpu.memory_space<hbm>>
    %dma_wait3A_108 = tpu.memref_squeeze %dma_wait3A_107 : memref<1x200x64xf32, #tpu.memory_space<hbm>> -> memref<200x64xf32, #tpu.memory_space<hbm>>
    %dma_wait3A_109 = arith.constant 0 : i32
    %dma_wait3A_110 = arith.constant 0 : i32
    %dma_wait3A_111 = tpu.memref_slice %arg5[%dma_wait3A_104, %dma_wait3A_109, %dma_wait3A_110] : memref<4096x200x64xf32, #tpu.memory_space<hbm>> -> memref<1x200x64xf32, #tpu.memory_space<hbm>>
    %dma_wait3A_112 = tpu.memref_squeeze %dma_wait3A_111 : memref<1x200x64xf32, #tpu.memory_space<hbm>> -> memref<200x64xf32, #tpu.memory_space<hbm>>
    tpu.wait_dma2 semaphore(%arg26 : memref<!tpu.dma_semaphore, #tpu.memory_space<semaphore_mem>>) src(%arg14 : memref<200x64xf32, #tpu.memory_space<vmem>>) dst(%dma_wait3A_112 : memref<200x64xf32, #tpu.memory_space<hbm>>)
    return
  }
}

</mosaic_0001>

<sc_bundles>
// kernel: kernel.3.cloned.1.call-start
scs
__scs_entry_jumppad:
0x0: {  	(pc) =	sbr.rel $0x88, $3  }
0x1: {  	(tag) =	ssettag $0x0;
	lr =	simm.s32 $0x1  }
0x2: {  	[smem:$0x3F9E] =	sst lr;
	_ =	strace $0xD0000000  }
0x3: {  	_ = 	snop  }
0x4: {  	_ = 	snop  }
0x5: {  	_ = 	snop  }
0x6: {  	_ = 	snop  }
0x7: {  	_ = 	snop  }
__scs_overlays_trampoline_lowered:
0x8: {  	[smem:$0x3FAD] =	sst s0  }
0x9: {  	[smem:$0x3FAE] =	sst s1  }
0xa: {  	[smem:$0x3FAF] =	sst s2  }
0xb: {  	[smem:$0x3FB0] =	sst s3  }
0xc: {  	[smem:$0x3FB1] =	sst s4  }
0xd: {  	[smem:$0x3FB2] =	sst s5  }
0xe: {  	[smem:$0x3FB3] =	sst s6  }
0xf: {  	[smem:$0x3FB4] =	sst s7  }
0x10: {  	[smem:$0x3FB5] =	sst s8  }
0x11: {  	[smem:$0x3FB6] =	sst s9;
	s0 =	simm.s32 @!p0 $0x0  }
0x12: {  	s1 =	sld [smem:$0x3F9C];
	s0 =	simm.s32 @p0 $0x1  }
0x13: {  	[smem:$0x3FB7] =	sst s0;
	s0 =	simm.s32 @!p1 $0x0  }
0x14: {  	s2 =	sld [smem:$0x3F9B];
	s0 =	simm.s32 @p1 $0x1  }
0x15: {  	[smem:$0x3FB8] =	sst s0;
	s0 =	simm.s32 @!p2 $0x0  }
0x16: {  	s3 =	sld [smem:$0x3FDB];
	s0 =	simm.s32 @p2 $0x1  }
0x17: {  	s4 =	simm.s32 $0x1BF5;
	[smem:$0x3FBA] =	sst s0  }
0x18: {  	s0 =	sld [smem:$0x3F9D];
	_ =	swait.ge [sflag:s4], $0x0  }
0x19: {  	s7 =	sld [smem:$0x3F9E]  }
0x1a: {  	s8 =	sadd.s32 $0xFFFFE003, lr  }
0x1b: {  	s9 =	sadd.s32 $0xFFFFFEF7, lr;
	s5 =	simm.s32 $0xFFFFFFFF;
	p2 =	slt.u32 s8, $0xFFFFF086  }
0x1c: {  	p1 =	slt.u32 s9, $0xF7A;
	s5 =	simm.s32 @!p2 $0x0  }
0x1d: {  	s5 =	simm.s32 @p1 $0x1;
	p0 =	seq.s32 s7, s2  }
0x1e: {  	s7 =	smul.u32 @!p0 $0xF7A, s2;
	p2 =	seq.s32 @!p0 s5, $0x0  }
0x1f: {  	s9 =	smul.u32 $0xF7A, s1;
	s8 =	simm.s32 @!p0 $0x1BF5;
	p2 =	por !p2, p0  }
0x20: {  	[sflag:s8] =	ssyncset.s32 @!p0 $0xFFFFF086;
	s6 =	sadd.s32 @!p0 s3, s7;
	s7 =	simm.s32 @!p0 $0x108  }
0x21: {  	s3 =	sadd.s32 s3, s9;
	s6 =	sadd.s32 @!p0 $0x88, s6;
	s7 =	simm.s32 @p2 $0x1082  }
0x22: {  	[simem:s7], [sflag:s8] =	dma.local @!p0 [hbm:s6], $0xF7A  }
0x23: {  	s9 =	sor.u32 $0xD0000000, s2;
	s6 =	simm.s32 $0x108;
	_ =	swait.ge @!p0 [sflag:s8], $0x0  }
0x24: {  	s3 =	sadd.s32 $0x88, s3;
	s6 =	simm.s32 @!p1 $0x1082;
	[sflag:s4] =	ssyncset.s32 $0xFFFFF086  }
0x25: {  	[simem:s6], [sflag:s4] =	dma.local [hbm:s3], $0xF7A  }
0x26: {  	[smem:$0x3F9E] =	sst s1;
	(tag) =	ssettag s2;
	_ =	strace s9  }
0x27: {  	s1 =	sld [smem:$0x3FAE]  }
0x28: {  	s2 =	sld [smem:$0x3FAF]  }
0x29: {  	s4 =	sld [smem:$0x3FB1]  }
0x2a: {  	p0 =	seq.s32 s5, $0x0;
	s5 =	sld [smem:$0x3FB2]  }
0x2b: {  	s6 =	sld [smem:$0x3FB3]  }
0x2c: {  	s7 =	sld [smem:$0x3FB4]  }
0x2d: {  	s3 =	simm.s32 $0x108;
	s8 =	sld [smem:$0x3FB5]  }
0x2e: {  	s3 =	simm.s32 @!p0 $0x1082;
	s9 =	sld [smem:$0x3FB6]  }
0x2f: {  	lr =	sadd.s32 s0, s3;
	s0 =	sld [smem:$0x3FAD]  }
0x30: {  	s3 =	sld [smem:$0x3FB0]  }
0x31: {  	[smem:$0x3FB9] =	sst s10  }
0x32: {  	s10 =	sld [smem:$0x3FB7];
	_ =	sdelay $0x3  }
0x33: {  	p0 =	seq.s32 s10, $0x1;
	s10 =	sld [smem:$0x3FB9];
	_ =	sdelay $0x3  }
0x34: {  	[smem:$0x3FB9] =	sst s10  }
0x35: {  	s10 =	sld [smem:$0x3FB8];
	_ =	sdelay $0x3  }
0x36: {  	p1 =	seq.s32 s10, $0x1;
	s10 =	sld [smem:$0x3FB9];
	_ =	sdelay $0x3  }
0x37: {  	[smem:$0x3FB9] =	sst s10  }
0x38: {  	s10 =	sld [smem:$0x3FBA]  }
0x39: {  	_ = 	snop;
	(pc) =	sbr.ind lr, $3  }
0x3a: {  	_ = 	snop  }
0x3b: {  	_ = 	snop  }
0x3c: {  	p2 =	seq.s32 s10, $0x1;
	s10 =	sld [smem:$0x3FB9]  }
0x3d: {  	_ =	shalt  }
0x3e: {  	_ =	shalt  }
0x3f: {  	_ =	shalt  }
0x40: {  	_ =	shalt  }
0x41: {  	_ =	shalt  }
0x42: {  	_ =	shalt  }
0x43: {  	_ =	shalt  }
0x44: {  	_ =	shalt  }
0x45: {  	_ =	shalt  }
0x46: {  	_ =	shalt  }
0x47: {  	_ =	shalt  }
0x48: {  	_ =	shalt  }
0x49: {  	_ =	shalt  }
0x4a: {  	_ =	shalt  }
0x4b: {  	_ =	shalt  }
0x4c: {  	_ =	shalt  }
0x4d: {  	_ =	shalt  }
0x4e: {  	_ =	shalt  }
0x4f: {  	_ =	shalt  }
0x50: {  	_ =	shalt  }
0x51: {  	_ =	shalt  }
0x52: {  	_ =	shalt  }
0x53: {  	_ =	shalt  }
0x54: {  	_ =	shalt  }
0x55: {  	_ =	shalt  }
0x56: {  	_ =	shalt  }
0x57: {  	_ =	shalt  }
0x58: {  	_ =	shalt  }
0x59: {  	_ =	shalt  }
0x5a: {  	_ =	shalt  }
0x5b: {  	_ =	shalt  }
0x5c: {  	_ =	shalt  }
0x5d: {  	_ =	shalt  }
0x5e: {  	_ =	shalt  }
0x5f: {  	_ =	shalt  }
0x60: {  	_ =	shalt  }
0x61: {  	_ =	shalt  }
0x62: {  	_ =	shalt  }
0x63: {  	_ =	shalt  }
0x64: {  	_ =	shalt  }
0x65: {  	_ =	shalt  }
0x66: {  	_ =	shalt  }
0x67: {  	_ =	shalt  }
0x68: {  	_ =	shalt  }
0x69: {  	_ =	shalt  }
0x6a: {  	_ =	shalt  }
0x6b: {  	_ =	shalt  }
0x6c: {  	_ =	shalt  }
0x6d: {  	_ =	shalt  }
0x6e: {  	_ =	shalt  }
0x6f: {  	_ =	shalt  }
0x70: {  	_ =	shalt  }
0x71: {  	_ =	shalt  }
0x72: {  	_ =	shalt  }
0x73: {  	_ =	shalt  }
0x74: {  	_ =	shalt  }
0x75: {  	_ =	shalt  }
0x76: {  	_ =	shalt  }
0x77: {  	_ =	shalt  }
0x78: {  	_ =	shalt  }
0x79: {  	_ =	shalt  }
0x7a: {  	_ =	shalt  }
0x7b: {  	_ =	shalt  }
0x7c: {  	_ =	shalt  }
0x7d: {  	_ =	shalt  }
0x7e: {  	_ =	shalt  }
0x7f: {  	_ =	shalt  }
0x80: {  	_ =	shalt  }
0x81: {  	_ =	shalt  }
0x82: {  	_ =	shalt  }
0x83: {  	_ =	shalt  }
0x84: {  	_ =	shalt  }
0x85: {  	_ =	shalt  }
0x86: {  	_ =	shalt  }
0x87: {  	_ =	shalt  }
.Lfunc_end0:
.L_simem_size_0:
called_computation.1_lowered:
.L_overlay_start_0:
0x88: {  	s2 =	sld [smem:$0x3FD9]  }
0x89: {  	s3 =	sld [smem:$0x3FFE];
	_ =	sdelay $0x1  }
0x8a: {  	s1 =	srdreg.scid  }
0x8b: {  	s0 =	sand.u32 $0x1, s1  }
0x8c: {  	s17 =	sshll.u32 s0, $0xA;
	s2 =	sadd.s32 s3, s2  }
0x8d: {  	s2 =	sadd.s32 s2, s17  }
0x8e: {  	[smem:$0x3FC5] =	sst s2  }
0x8f: {  	_ = 	snop  }
0x90: {  	s2 =	sld [smem:$0x3FD0];
	(tm) =	ssettm $0x1  }
0x91: {  	s18 =	sld [smem:$0x3FFB];
	_ =	sdelay $0x3  }
0x92: {  	_ =	strace s18  }
0x93: {  	s3 =	sld [smem:$0x3FFC];
	_ =	sdelay $0x3  }
0x94: {  	_ =	strace s3  }
0x95: {  	s3 =	sld [smem:$0x3FFD];
	_ =	sdelay $0x3  }
0x96: {  	_ =	strace s3  }
0x97: {  	_ =	strace $0x8FFFFFFF  }
0x98: {  	s19 =	sld [smem:$0x3FDB];
	_ =	sdelay $0x1  }
0x99: {  	s4 =	simm.s32 $_scs_section_size  }
0x9a: {  	s5 =	simm.s32 $_size__tile_overlayer_lowered;
	s6 =	simm.s32 $_tile_overlayer_lowered  }
0x9b: {  	s22 =	simm.s32 $0x1BFF;
	s21 =	sshll.u32 s6, $0x1;
	s3 =	sadd.s32 s4, s19  }
0x9c: {  	s7 =	simm.s32 $0x0;
	s20 =	sshll.u32 s5, $0x1;
	s5 =	sadd.s32 s21, s3  }
0x9d: {  	[timem:s7], [sflag:s22] =	dma.local [hbm:s5], s20  }
0x9e: {  	_ =	swait.ge [sflag:s22], s20  }
0x9f: {  	s4 =	ssub.s32 $0x0, s20;
	[sflag:s22] =	ssyncset.done $0x0  }
0xa0: {  	[sflag:s22] =	ssyncadd.s32 s4;
	_ =	sdelay $0x1  }
0xa1: {  	s23 =	simm.s32 $0x1B8B  }
0xa2: {  	_ =	swait.ge [sflag:s23], $0x1  }
0xa3: {  	[sflag:s23] =	ssyncset.done $0x0  }
0xa4: {  	s25 =	simm.s32 $0x1B8E;
	s24 =	sld [smem:$0x3FFE];
	[sflag:s23] =	ssyncadd.s32 $0xFFFFFFFF  }
0xa5: {  	s26 =	simm.s32 $execute0_lowered;
	[smem:$0x3FD2] =	sst s25  }
0xa6: {  	s5 =	sshll.u32 s26, $0x1;
	_ =	strace $0x80000046;
	[dreg:$0x1] =	wrdreg $0xFFFFFFFF  }
0xa7: {  	s28 =	simm.s32 $_size_execute0_lowered;
	s3 =	sadd.s32 s3, s5;
	[dreg:$0x0] =	wrdreg $0x0  }
0xa8: {  	s5 =	sshll.u32 s28, $0x1;
	[dreg:$0x2] =	wrdreg s3  }
0xa9: {  	[dreg:$0x3] =	wrdreg s5  }
0xaa: {  	[dreg:$0x4] =	wrdreg $0xC0  }
0xab: {  	_ =	task [dreg:s7], $0x5FFFF  }
0xac: {  	[dreg:$0x1] =	wrdreg $0xFFFFFFFF  }
0xad: {  	[dreg:$0x0] =	wrdreg $0x60  }
0xae: {  	[dreg:$0x2] =	wrdreg s24  }
0xaf: {  	[dreg:$0x3] =	wrdreg s2  }
0xb0: {  	[dreg:$0x4] =	wrdreg $0x9  }
0xb1: {  	_ =	task.clear_ibuf [dreg:s7], $0x5FFFF;
	_ =	strace $0x90000046  }
0xb2: {  	s29 =	simm.s32 $0x9;
	_ =	strace $0x80000048  }
0xb3: {  	_ =	swait.ge [sflag:s29], $0x1  }
0xb4: {  	[sflag:s29] =	ssyncadd.s32 $0xFFFFFFFF  }
0xb5: {  	_ =	strace $0x90000048  }
0xb6: {  	_ =	sfence  }
0xb7: {  	s30 =	sld [smem:$0x0];
	_ =	sdelay $0x2  }
0xb8: {  	s31 =	sshll.u32 s1, $0xD;
	s1 =	sshrl.u32 s1, $0x2  }
0xb9: {  	s3 =	sand.u32 $0x4000, s31;
	s1 =	sadd.s32 s1, s30  }
0xba: {  	s0 =	sor.u32 s3, s0;
	s1 =	sshll.u32 s1, $0x11  }
0xbb: {  	s0 =	sor.u32 s1, s0  }
0xbc: {  	s0 =	sadd.s32 $0x8F2B, s0  }
0xbd: {  	[sflag:s0] =	ssyncadd.remote.s32 $0x1  }
0xbe: {  	_ =	sfence.sel $0xFFFF  }
0xbf: {  	[dreg:$0x0] =	wrdreg $0xFFFFFFFF;
	(pc) =	sbr.abs _section_cstart, $3  }
0xc0: {  	[dreg:$0x1] =	wrdreg $0xFFFFFFFF  }
0xc1: {  	_ =	task.clear_ibuf [dreg:s7], $0x2FFFF;
	_ =	strace $0x9FFFFFFF  }
0xc2: {  	(tm) =	ssettm $0x7FFFFFFF  }
0xc3: {  	_ =	shalt  }
tec
execute0_lowered:
.L_overlay_start_1:
0x0: {  	(tag) =	ssettag $0x1  }
0x1: {  	s0 =	srdreg.scid  }
0x2: {  	s1 =	rddreg [dreg:$0x0];
	s3 =	stileid.u32  }
0x3: {  	s2 =	rddreg [dreg:$0x1];
	s28 =	simm.s32 $0x6720;
	s29 =	simm.s32 $0x3  }
0x4: {  	s30 =	simm.s32 $0x9920;
	s31 =	simm.s32 $0x4;
	s9 =	simm.s32 $0x7  }
0x5: {  	s10 =	simm.s32 $0x8;
	s11 =	simm.s32 $0x9;
	s16 =	simm.s32 $0xA  }
0x6: {  	s15 =	simm.s32 $0x0;
	s0 =	sand.u32 $0x1, s0;
	s4 =	sshll.u32 s3, $0x8  }
0x7: {  	s3 =	simm.s32 $0x0;
	s6 =	sadd.s32 $0xF43000, s1;
	s5 =	sshll.u32 s0, $0x7  }
0x8: {  	[smem:$0x7FF] =	sst s3;
	s0 =	ssub.s32 $0x2, s0;
	s4 =	sor.u32 s5, s4  }
0x9: {  	_ =	strace $0x80000047;
	s5 =	sadd.s32 $0xC00, s1;
	s1 =	sadd.s32 $0x19C00, s1  }
0xa: {  	s8 =	sshrl.u32 s0, $0x1;
	s7 =	smul.u32 $0x19, s4;
	[dreg:$0x4] =	wrdreg s1  }
0xb: {  	s0 =	ssub.s32 s0, s8;
	s22 =	smul.u32 $0x640, s4;
	s23 =	sor.u32 $0x5, s4  }
0xc: {  	s12 =	sor.u32 $0x4, s4;
	s24 =	sor.u32 $0x6, s4;
	[dreg:$0x8] =	wrdreg s23  }
0xd: {  	s25 =	sor.u32 $0x7, s4;
	s1 =	simm.s32 $0xCB20;
	[dreg:$0x9] =	wrdreg s24  }
0xe: {  	s8 =	simm.s32 $0x6;
	[dreg:$0xa] =	wrdreg s25;
	s0 =	smax.u32 s0, $0x1  }
0xf: {  	s23 =	simm.s32 $0x1;
	s24 =	simm.s32 $0xC8;
	s25 =	simm.s32 $0x3520  }
0x10: {  	s7 =	sadd.s32 s5, s7;
	[dreg:$0xb] =	wrdreg s0;
	s26 =	sadd.s32 s2, s22  }
.Ltmp0:
0x11: {  	s19 =	sadd.s32 $0x19, s7;
	[dreg:$0x3] =	wrdreg s7;
	(pc) =	sbr.rel .LBB2_1-.Ltmp0, $4  }
0x12: {  	s22 =	simm.s32 $0x3458;
	s20 =	sadd.s32 $0x32, s7;
	[dreg:$0x5] =	wrdreg s19  }
0x13: {  	s21 =	sadd.s32 $0x4B, s7;
	s0 =	sadd.s32 $0x31380, s26;
	[dreg:$0x6] =	wrdreg s20  }
0x14: {  	s26 =	simm.s32 $0x2;
	s7 =	simm.s32 $0xB;
	[dreg:$0x7] =	wrdreg s21  }
0x15: {  	[dreg:$0xc] =	wrdreg s0;
	s21 =	simm.s32 $0x3390;
	s0 =	simm.s32 $0x5  }
.LBB2_22:
0x16: {  	_ =	swait.ge [sflag:s11], $0x3200  }
0x17: {  	[sflag:s11] =	ssyncset.done $0x0  }
0x18: {  	[sflag:s11] =	ssyncadd.s32 $0xFFFFCE00  }
0x19: {  	_ =	swait.ge [sflag:s16], $0x3200  }
0x1a: {  	[sflag:s16] =	ssyncset.done $0x0  }
0x1b: {  	[sflag:s16] =	ssyncadd.s32 $0xFFFFCE00  }
0x1c: {  	_ =	swait.ge [sflag:s7], $0x3200  }
0x1d: {  	[sflag:s7] =	ssyncset.done $0x0  }
0x1e: {  	s14 =	simm.s32 $0xC;
	[sflag:s7] =	ssyncadd.s32 $0xFFFFCE00  }
0x1f: {  	_ =	swait.ge [sflag:s14], $0x3200  }
0x20: {  	s15 =	rddreg [dreg:$0xd]  }
0x21: {  	s13 =	rddreg [dreg:$0xb];
	s15 =	sadd.s32 $0x1, s15  }
0x22: {  	p0 =	sne.s32 s15, s13  }
.Ltmp1:
0x23: {  	_ = 	snop;
	(pc) =	sbr.rel @!p0 .LBB2_23-.Ltmp1, $3  }
0x24: {  	_ =	sdelay $0x1  }
0x25: {  	[sflag:s14] =	ssyncset.done $0x0  }
0x26: {  	[sflag:s14] =	ssyncadd.s32 $0xFFFFCE00  }
.LBB2_1:
0x27: {  	[dreg:$0xd] =	wrdreg s15  }
0x28: {  	s13 =	rddreg [dreg:$0x4];
	s19 =	simm.s32 $0xD  }
0x29: {  	[tilespmem:s3], [sflag:$0xD] =	stream.linear.gather [hbm4b:s13+s3], $0x3200, $0x38;
	[tilespmem:$0xFD20] =	vst v63  }
0x2a: {  	_ =	swait.ge [sflag:s19], $0x3200  }
0x2b: {  	[sflag:s19] =	ssyncset.done $0x0  }
0x2c: {  	s14 =	simm.s32 $0x3200;
	s20 =	rddreg [dreg:$0x3];
	[sflag:s19] =	ssyncadd.s32 $0xFFFFCE00  }
0x2d: {  	[tilespmem:s14], [sflag:$0x1] =	stream.linear.gather [hbm4b:s20+s3], $0xC8, $0x38;
	[tilespmem:$0xFD20] =	vst v63  }
0x2e: {  	s17 =	simm.s32 $0x32C8;
	s15 =	rddreg [dreg:$0x5]  }
0x2f: {  	[tilespmem:s17], [sflag:$0x2] =	stream.linear.gather [hbm4b:s15+s3], $0xC8, $0x38;
	[tilespmem:$0xFD20] =	vst v63  }
0x30: {  	s18 =	rddreg [dreg:$0x6]  }
0x31: {  	[tilespmem:s21], [sflag:$0x3] =	stream.linear.gather [hbm4b:s18+s3], $0xC8, $0x38;
	[tilespmem:$0xFD20] =	vst v63  }
0x32: {  	s19 =	rddreg [dreg:$0x7];
	s20 =	simm.s32 $0x100  }
0x33: {  	[tilespmem:s22], [sflag:$0x4] =	stream.linear.gather [hbm4b:s19+s3], $0xC8, $0x38;
	[tilespmem:$0xFD20] =	vst v63  }
0x34: {  	v0 =	vld [tilespmem:s20+$0xC0]  }
0x35: {  	v1 =	vld [tilespmem:s20+$0xFFFFFF40]  }
0x36: {  	v2 =	vld [tilespmem:s20+$0xFFFFFF80]  }
0x37: {  	v3 =	vld [tilespmem:s20+$0xFFFFFFC0]  }
0x38: {  	s13 =	simm.s32 $0x3620;
	v4 =	vld [tilespmem:s20+$0x0]  }
0x39: {  	v5 =	vld [tilespmem:s20+$0x40];
	[tilespmem:s13+$0xC0] =	vst v0  }
0x3a: {  	[tilespmem:s13+$0xFFFFFF40] =	vst v1;
	v1 =	vld [tilespmem:s20+$0x80]  }
0x3b: {  	[tilespmem:s13+$0xFFFFFF80] =	vst v2;
	v2 =	vld [tilespmem:s20+$0xFFFFFF00]  }
0x3c: {  	[tilespmem:s13+$0xFFFFFFC0] =	vst v3;
	v0 =	vld [tilespmem:s20+$0xD0]  }
0x3d: {  	[tilespmem:s13+$0x0] =	vst v4;
	v3 =	vld [tilespmem:s20+$0xFFFFFF50]  }
0x3e: {  	[tilespmem:s13+$0x40] =	vst v5;
	v4 =	vld [tilespmem:s20+$0xFFFFFF90]  }
0x3f: {  	v5 =	vld [tilespmem:s20+$0xFFFFFFD0];
	[tilespmem:s13+$0x80] =	vst v1  }
0x40: {  	[tilespmem:s13+$0xFFFFFF00] =	vst v2;
	v1 =	vld [tilespmem:s20+$0x10]  }
0x41: {  	[tilespmem:s13+$0xD0] =	vst v0;
	v2 =	vld [tilespmem:s20+$0xFFFFFF10]  }
0x42: {  	[tilespmem:s13+$0xFFFFFF50] =	vst v3;
	v3 =	vld [tilespmem:s20+$0x50]  }
0x43: {  	[tilespmem:s13+$0xFFFFFF90] =	vst v4;
	v4 =	vld [tilespmem:s20+$0x90]  }
0x44: {  	[tilespmem:s13+$0xFFFFFFD0] =	vst v5;
	v0 =	vld [tilespmem:s20+$0xE0]  }
0x45: {  	v5 =	vld [tilespmem:s20+$0xFFFFFF60];
	[tilespmem:s13+$0x10] =	vst v1  }
0x46: {  	v1 =	vld [tilespmem:s20+$0xFFFFFFA0];
	[tilespmem:s13+$0xFFFFFF10] =	vst v2  }
0x47: {  	[tilespmem:s13+$0x50] =	vst v3;
	v3 =	vld [tilespmem:s20+$0xFFFFFFE0]  }
0x48: {  	[tilespmem:s13+$0x90] =	vst v4;
	v2 =	vld [tilespmem:s20+$0xFFFFFF20]  }
0x49: {  	v4 =	vld [tilespmem:s20+$0x20];
	[tilespmem:s13+$0xE0] =	vst v0  }
0x4a: {  	[tilespmem:s13+$0xFFFFFF60] =	vst v5;
	v0 =	vld [tilespmem:s20+$0xF0]  }
0x4b: {  	v5 =	vld [tilespmem:s20+$0x60];
	[tilespmem:s13+$0xFFFFFFA0] =	vst v1  }
0x4c: {  	v6 =	vld [tilespmem:s20+$0xA0];
	[tilespmem:s13+$0xFFFFFFE0] =	vst v3  }
0x4d: {  	v7 =	vld [tilespmem:s20+$0xFFFFFF70];
	[tilespmem:s13+$0xFFFFFF20] =	vst v2  }
0x4e: {  	[tilespmem:s13+$0x20] =	vst v4;
	v8 =	vld [tilespmem:s20+$0xFFFFFF30]  }
0x4f: {  	[tilespmem:s13+$0xF0] =	vst v0;
	v0 =	vld [tilespmem:s20+$0xFFFFFFB0]  }
0x50: {  	v1 =	vld [tilespmem:s20+$0xFFFFFFF0];
	[tilespmem:s13+$0x60] =	vst v5  }
0x51: {  	v2 =	vld [tilespmem:s20+$0x30];
	[tilespmem:s13+$0xA0] =	vst v6  }
0x52: {  	[tilespmem:s13+$0xFFFFFF70] =	vst v7;
	v3 =	vld [tilespmem:s20+$0x70]  }
0x53: {  	s14 =	simm.s32 $0x0;
	s15 =	simm.s32 $0x300;
	v4 =	vld [tilespmem:s20+$0xB0];
	[tilespmem:s13+$0xFFFFFF30] =	vst v8  }
.LBB2_2:
0x54: {  	v5 =	vld [tilespmem:s15+$0xC0];
	s14 =	sadd.s32 $0x8, s14;
	[tilespmem:s13+$0xFFFFFFB0] =	vst v0  }
0x55: {  	v0 =	vld [tilespmem:s15+$0xFFFFFF40];
	p0 =	slt.u32 s14, $0xC0;
	[tilespmem:s13+$0xFFFFFFF0] =	vst v1  }
0x56: {  	v1 =	vld [tilespmem:s15+$0xFFFFFF80];
	[tilespmem:s13+$0x30] =	vst v2  }
0x57: {  	v2 =	vld [tilespmem:s15+$0xFFFFFFC0];
	[tilespmem:s13+$0x70] =	vst v3  }
0x58: {  	v3 =	vld [tilespmem:s15+$0x0];
	[tilespmem:s13+$0xB0] =	vst v4;
	s13 =	sadd.s32 $0x200, s13  }
0x59: {  	v4 =	vld [tilespmem:s15+$0x40];
	[tilespmem:s13+$0xC0] =	vst v5  }
0x5a: {  	[tilespmem:s13+$0xFFFFFF40] =	vst v0;
	v0 =	vld [tilespmem:s15+$0xD0]  }
0x5b: {  	[tilespmem:s13+$0xFFFFFF80] =	vst v1;
	v1 =	vld [tilespmem:s15+$0x80]  }
0x5c: {  	v5 =	vld [tilespmem:s15+$0xFFFFFF00];
	[tilespmem:s13+$0xFFFFFFC0] =	vst v2  }
0x5d: {  	v2 =	vld [tilespmem:s15+$0xFFFFFF50];
	[tilespmem:s13+$0x0] =	vst v3  }
0x5e: {  	v3 =	vld [tilespmem:s15+$0xFFFFFF90];
	[tilespmem:s13+$0x40] =	vst v4  }
0x5f: {  	v4 =	vld [tilespmem:s15+$0xFFFFFFD0];
	[tilespmem:s13+$0xD0] =	vst v0  }
0x60: {  	[tilespmem:s13+$0x80] =	vst v1;
	v0 =	vld [tilespmem:s15+$0xE0]  }
0x61: {  	[tilespmem:s13+$0xFFFFFF00] =	vst v5;
	v1 =	vld [tilespmem:s15+$0x10]  }
0x62: {  	v5 =	vld [tilespmem:s15+$0xFFFFFF10];
	[tilespmem:s13+$0xFFFFFF50] =	vst v2  }
0x63: {  	[tilespmem:s13+$0xFFFFFF90] =	vst v3;
	v2 =	vld [tilespmem:s15+$0x50]  }
0x64: {  	[tilespmem:s13+$0xFFFFFFD0] =	vst v4;
	v3 =	vld [tilespmem:s15+$0x90]  }
0x65: {  	v4 =	vld [tilespmem:s15+$0xFFFFFF60];
	[tilespmem:s13+$0xE0] =	vst v0  }
0x66: {  	[tilespmem:s13+$0x10] =	vst v1;
	v0 =	vld [tilespmem:s15+$0xF0]  }
0x67: {  	[tilespmem:s13+$0xFFFFFF10] =	vst v5;
	v1 =	vld [tilespmem:s15+$0xFFFFFFA0]  }
0x68: {  	v5 =	vld [tilespmem:s15+$0xFFFFFF20];
	[tilespmem:s13+$0x50] =	vst v2  }
0x69: {  	v2 =	vld [tilespmem:s15+$0xFFFFFFE0];
	[tilespmem:s13+$0x90] =	vst v3  }
0x6a: {  	[tilespmem:s13+$0xFFFFFF60] =	vst v4;
	v3 =	vld [tilespmem:s15+$0x20]  }
0x6b: {  	v4 =	vld [tilespmem:s15+$0x60];
	[tilespmem:s13+$0xF0] =	vst v0  }
0x6c: {  	[tilespmem:s13+$0xFFFFFFA0] =	vst v1;
	v6 =	vld [tilespmem:s15+$0xA0]  }
0x6d: {  	[tilespmem:s13+$0xFFFFFF20] =	vst v5;
	v5 =	vld [tilespmem:s15+$0xFFFFFF70]  }
0x6e: {  	v7 =	vld [tilespmem:s15+$0xFFFFFF30];
	[tilespmem:s13+$0xFFFFFFE0] =	vst v2  }
.Ltmp2:
0x6f: {  	v0 =	vld [tilespmem:s15+$0xFFFFFFB0];
	[tilespmem:s13+$0x20] =	vst v3;
	(pc) =	sbr.rel @p0 .LBB2_2-.Ltmp2, $4  }
0x70: {  	v1 =	vld [tilespmem:s15+$0xFFFFFFF0];
	[tilespmem:s13+$0x60] =	vst v4  }
0x71: {  	v2 =	vld [tilespmem:s15+$0x30];
	[tilespmem:s13+$0xA0] =	vst v6  }
0x72: {  	[tilespmem:s13+$0xFFFFFF70] =	vst v5;
	v3 =	vld [tilespmem:s15+$0x70]  }
0x73: {  	[tilespmem:s13+$0xFFFFFF30] =	vst v7;
	v4 =	vld [tilespmem:s15+$0xB0];
	s15 =	sadd.s32 $0x200, s15  }
0x74: {  	[tilespmem:s13+$0xFFFFFFB0] =	vst v0  }
0x75: {  	[tilespmem:s13+$0xFFFFFFF0] =	vst v1  }
0x76: {  	[tilespmem:s13+$0x30] =	vst v2  }
0x77: {  	[tilespmem:s13+$0x70] =	vst v3  }
0x78: {  	[tilespmem:s13+$0xB0] =	vst v4  }
0x79: {  	_ =	swait.ge [sflag:s23], $0xC8  }
0x7a: {  	[sflag:s23] =	ssyncset.done $0x0  }
0x7b: {  	s20 =	simm.s32 $0x3200;
	s15 =	simm.s32 $0x100;
	[sflag:s23] =	ssyncadd.s32 $0xFFFFFF38  }
0x7c: {  	[tilespmem:s25], [sflag:$0x5] =	stream.indirect.gather.add.f32 [hbm:s6], $0x40, s20, s24, $0xb8;
	[tilespmem:$0xFD20] =	vst v63  }
0x7d: {  	v0 =	vld [tilespmem:s15+$0xC0]  }
0x7e: {  	v1 =	vld [tilespmem:s15+$0xFFFFFF40]  }
0x7f: {  	v2 =	vld [tilespmem:s15+$0xFFFFFF80]  }
0x80: {  	v3 =	vld [tilespmem:s15+$0xFFFFFFC0]  }
0x81: {  	s13 =	simm.s32 $0x6820;
	v4 =	vld [tilespmem:s15+$0x0]  }
0x82: {  	v5 =	vld [tilespmem:s15+$0x40];
	[tilespmem:s13+$0xC0] =	vst v0  }
0x83: {  	[tilespmem:s13+$0xFFFFFF40] =	vst v1;
	v1 =	vld [tilespmem:s15+$0x80]  }
0x84: {  	[tilespmem:s13+$0xFFFFFF80] =	vst v2;
	v2 =	vld [tilespmem:s15+$0xFFFFFF00]  }
0x85: {  	[tilespmem:s13+$0xFFFFFFC0] =	vst v3;
	v0 =	vld [tilespmem:s15+$0xD0]  }
0x86: {  	[tilespmem:s13+$0x0] =	vst v4;
	v3 =	vld [tilespmem:s15+$0xFFFFFF50]  }
0x87: {  	[tilespmem:s13+$0x40] =	vst v5;
	v4 =	vld [tilespmem:s15+$0xFFFFFF90]  }
0x88: {  	v5 =	vld [tilespmem:s15+$0xFFFFFFD0];
	[tilespmem:s13+$0x80] =	vst v1  }
0x89: {  	[tilespmem:s13+$0xFFFFFF00] =	vst v2;
	v1 =	vld [tilespmem:s15+$0x10]  }
0x8a: {  	[tilespmem:s13+$0xD0] =	vst v0;
	v2 =	vld [tilespmem:s15+$0xFFFFFF10]  }
0x8b: {  	[tilespmem:s13+$0xFFFFFF50] =	vst v3;
	v3 =	vld [tilespmem:s15+$0x50]  }
0x8c: {  	[tilespmem:s13+$0xFFFFFF90] =	vst v4;
	v4 =	vld [tilespmem:s15+$0x90]  }
0x8d: {  	[tilespmem:s13+$0xFFFFFFD0] =	vst v5;
	v0 =	vld [tilespmem:s15+$0xE0]  }
0x8e: {  	v5 =	vld [tilespmem:s15+$0xFFFFFF60];
	[tilespmem:s13+$0x10] =	vst v1  }
0x8f: {  	v1 =	vld [tilespmem:s15+$0xFFFFFFA0];
	[tilespmem:s13+$0xFFFFFF10] =	vst v2  }
0x90: {  	[tilespmem:s13+$0x50] =	vst v3;
	v3 =	vld [tilespmem:s15+$0xFFFFFFE0]  }
0x91: {  	[tilespmem:s13+$0x90] =	vst v4;
	v2 =	vld [tilespmem:s15+$0xFFFFFF20]  }
0x92: {  	v4 =	vld [tilespmem:s15+$0x20];
	[tilespmem:s13+$0xE0] =	vst v0  }
0x93: {  	[tilespmem:s13+$0xFFFFFF60] =	vst v5;
	v0 =	vld [tilespmem:s15+$0xF0]  }
0x94: {  	v5 =	vld [tilespmem:s15+$0x60];
	[tilespmem:s13+$0xFFFFFFA0] =	vst v1  }
0x95: {  	v6 =	vld [tilespmem:s15+$0xA0];
	[tilespmem:s13+$0xFFFFFFE0] =	vst v3  }
0x96: {  	v7 =	vld [tilespmem:s15+$0xFFFFFF70];
	[tilespmem:s13+$0xFFFFFF20] =	vst v2  }
0x97: {  	[tilespmem:s13+$0x20] =	vst v4;
	v8 =	vld [tilespmem:s15+$0xFFFFFF30]  }
0x98: {  	[tilespmem:s13+$0xF0] =	vst v0;
	v0 =	vld [tilespmem:s15+$0xFFFFFFB0]  }
0x99: {  	v1 =	vld [tilespmem:s15+$0xFFFFFFF0];
	[tilespmem:s13+$0x60] =	vst v5  }
0x9a: {  	v2 =	vld [tilespmem:s15+$0x30];
	[tilespmem:s13+$0xA0] =	vst v6  }
0x9b: {  	[tilespmem:s13+$0xFFFFFF70] =	vst v7;
	v3 =	vld [tilespmem:s15+$0x70]  }
0x9c: {  	s14 =	simm.s32 $0x0;
	v4 =	vld [tilespmem:s15+$0xB0];
	s15 =	simm.s32 $0x300;
	[tilespmem:s13+$0xFFFFFF30] =	vst v8  }
.LBB2_4:
0x9d: {  	v5 =	vld [tilespmem:s15+$0xC0];
	s14 =	sadd.s32 $0x8, s14;
	[tilespmem:s13+$0xFFFFFFB0] =	vst v0  }
0x9e: {  	v0 =	vld [tilespmem:s15+$0xFFFFFF40];
	p0 =	slt.u32 s14, $0xC0;
	[tilespmem:s13+$0xFFFFFFF0] =	vst v1  }
0x9f: {  	v1 =	vld [tilespmem:s15+$0xFFFFFF80];
	[tilespmem:s13+$0x30] =	vst v2  }
0xa0: {  	v2 =	vld [tilespmem:s15+$0xFFFFFFC0];
	[tilespmem:s13+$0x70] =	vst v3  }
0xa1: {  	v3 =	vld [tilespmem:s15+$0x0];
	[tilespmem:s13+$0xB0] =	vst v4;
	s13 =	sadd.s32 $0x200, s13  }
0xa2: {  	v4 =	vld [tilespmem:s15+$0x40];
	[tilespmem:s13+$0xC0] =	vst v5  }
0xa3: {  	[tilespmem:s13+$0xFFFFFF40] =	vst v0;
	v0 =	vld [tilespmem:s15+$0xD0]  }
0xa4: {  	[tilespmem:s13+$0xFFFFFF80] =	vst v1;
	v1 =	vld [tilespmem:s15+$0x80]  }
0xa5: {  	v5 =	vld [tilespmem:s15+$0xFFFFFF00];
	[tilespmem:s13+$0xFFFFFFC0] =	vst v2  }
0xa6: {  	v2 =	vld [tilespmem:s15+$0xFFFFFF50];
	[tilespmem:s13+$0x0] =	vst v3  }
0xa7: {  	v3 =	vld [tilespmem:s15+$0xFFFFFF90];
	[tilespmem:s13+$0x40] =	vst v4  }
0xa8: {  	v4 =	vld [tilespmem:s15+$0xFFFFFFD0];
	[tilespmem:s13+$0xD0] =	vst v0  }
0xa9: {  	[tilespmem:s13+$0x80] =	vst v1;
	v0 =	vld [tilespmem:s15+$0xE0]  }
0xaa: {  	[tilespmem:s13+$0xFFFFFF00] =	vst v5;
	v1 =	vld [tilespmem:s15+$0x10]  }
0xab: {  	v5 =	vld [tilespmem:s15+$0xFFFFFF10];
	[tilespmem:s13+$0xFFFFFF50] =	vst v2  }
0xac: {  	[tilespmem:s13+$0xFFFFFF90] =	vst v3;
	v2 =	vld [tilespmem:s15+$0x50]  }
0xad: {  	[tilespmem:s13+$0xFFFFFFD0] =	vst v4;
	v3 =	vld [tilespmem:s15+$0x90]  }
0xae: {  	v4 =	vld [tilespmem:s15+$0xFFFFFF60];
	[tilespmem:s13+$0xE0] =	vst v0  }
0xaf: {  	[tilespmem:s13+$0x10] =	vst v1;
	v0 =	vld [tilespmem:s15+$0xF0]  }
0xb0: {  	[tilespmem:s13+$0xFFFFFF10] =	vst v5;
	v1 =	vld [tilespmem:s15+$0xFFFFFFA0]  }
0xb1: {  	v5 =	vld [tilespmem:s15+$0xFFFFFF20];
	[tilespmem:s13+$0x50] =	vst v2  }
0xb2: {  	v2 =	vld [tilespmem:s15+$0xFFFFFFE0];
	[tilespmem:s13+$0x90] =	vst v3  }
0xb3: {  	[tilespmem:s13+$0xFFFFFF60] =	vst v4;
	v3 =	vld [tilespmem:s15+$0x20]  }
0xb4: {  	v4 =	vld [tilespmem:s15+$0x60];
	[tilespmem:s13+$0xF0] =	vst v0  }
0xb5: {  	[tilespmem:s13+$0xFFFFFFA0] =	vst v1;
	v6 =	vld [tilespmem:s15+$0xA0]  }
0xb6: {  	[tilespmem:s13+$0xFFFFFF20] =	vst v5;
	v5 =	vld [tilespmem:s15+$0xFFFFFF70]  }
0xb7: {  	v7 =	vld [tilespmem:s15+$0xFFFFFF30];
	[tilespmem:s13+$0xFFFFFFE0] =	vst v2  }
.Ltmp3:
0xb8: {  	v0 =	vld [tilespmem:s15+$0xFFFFFFB0];
	[tilespmem:s13+$0x20] =	vst v3;
	(pc) =	sbr.rel @p0 .LBB2_4-.Ltmp3, $4  }
0xb9: {  	v1 =	vld [tilespmem:s15+$0xFFFFFFF0];
	[tilespmem:s13+$0x60] =	vst v4  }
0xba: {  	v2 =	vld [tilespmem:s15+$0x30];
	[tilespmem:s13+$0xA0] =	vst v6  }
0xbb: {  	[tilespmem:s13+$0xFFFFFF70] =	vst v5;
	v3 =	vld [tilespmem:s15+$0x70]  }
0xbc: {  	[tilespmem:s13+$0xFFFFFF30] =	vst v7;
	v4 =	vld [tilespmem:s15+$0xB0];
	s15 =	sadd.s32 $0x200, s15  }
0xbd: {  	[tilespmem:s13+$0xFFFFFFB0] =	vst v0  }
0xbe: {  	[tilespmem:s13+$0xFFFFFFF0] =	vst v1  }
0xbf: {  	[tilespmem:s13+$0x30] =	vst v2  }
0xc0: {  	[tilespmem:s13+$0x70] =	vst v3  }
0xc1: {  	[tilespmem:s13+$0xB0] =	vst v4  }
0xc2: {  	_ =	swait.ge [sflag:s26], $0xC8  }
0xc3: {  	[sflag:s26] =	ssyncset.done $0x0  }
0xc4: {  	s20 =	simm.s32 $0x32C8;
	s15 =	simm.s32 $0x100;
	[sflag:s26] =	ssyncadd.s32 $0xFFFFFF38  }
0xc5: {  	[tilespmem:s28], [sflag:$0x6] =	stream.indirect.gather.add.f32 [hbm:s6], $0x40, s20, s24, $0xb8;
	[tilespmem:$0xFD20] =	vst v63  }
0xc6: {  	v0 =	vld [tilespmem:s15+$0xC0]  }
0xc7: {  	v1 =	vld [tilespmem:s15+$0xFFFFFF40]  }
0xc8: {  	v2 =	vld [tilespmem:s15+$0xFFFFFF80]  }
0xc9: {  	v3 =	vld [tilespmem:s15+$0xFFFFFFC0]  }
0xca: {  	s13 =	simm.s32 $0x9A20;
	v4 =	vld [tilespmem:s15+$0x0]  }
0xcb: {  	v5 =	vld [tilespmem:s15+$0x40];
	[tilespmem:s13+$0xC0] =	vst v0  }
0xcc: {  	[tilespmem:s13+$0xFFFFFF40] =	vst v1;
	v1 =	vld [tilespmem:s15+$0x80]  }
0xcd: {  	[tilespmem:s13+$0xFFFFFF80] =	vst v2;
	v2 =	vld [tilespmem:s15+$0xFFFFFF00]  }
0xce: {  	[tilespmem:s13+$0xFFFFFFC0] =	vst v3;
	v0 =	vld [tilespmem:s15+$0xD0]  }
0xcf: {  	[tilespmem:s13+$0x0] =	vst v4;
	v3 =	vld [tilespmem:s15+$0xFFFFFF50]  }
0xd0: {  	[tilespmem:s13+$0x40] =	vst v5;
	v4 =	vld [tilespmem:s15+$0xFFFFFF90]  }
0xd1: {  	v5 =	vld [tilespmem:s15+$0xFFFFFFD0];
	[tilespmem:s13+$0x80] =	vst v1  }
0xd2: {  	[tilespmem:s13+$0xFFFFFF00] =	vst v2;
	v1 =	vld [tilespmem:s15+$0x10]  }
0xd3: {  	[tilespmem:s13+$0xD0] =	vst v0;
	v2 =	vld [tilespmem:s15+$0xFFFFFF10]  }
0xd4: {  	[tilespmem:s13+$0xFFFFFF50] =	vst v3;
	v3 =	vld [tilespmem:s15+$0x50]  }
0xd5: {  	[tilespmem:s13+$0xFFFFFF90] =	vst v4;
	v4 =	vld [tilespmem:s15+$0x90]  }
0xd6: {  	[tilespmem:s13+$0xFFFFFFD0] =	vst v5;
	v0 =	vld [tilespmem:s15+$0xE0]  }
0xd7: {  	v5 =	vld [tilespmem:s15+$0xFFFFFF60];
	[tilespmem:s13+$0x10] =	vst v1  }
0xd8: {  	v1 =	vld [tilespmem:s15+$0xFFFFFFA0];
	[tilespmem:s13+$0xFFFFFF10] =	vst v2  }
0xd9: {  	[tilespmem:s13+$0x50] =	vst v3;
	v3 =	vld [tilespmem:s15+$0xFFFFFFE0]  }
0xda: {  	[tilespmem:s13+$0x90] =	vst v4;
	v2 =	vld [tilespmem:s15+$0xFFFFFF20]  }
0xdb: {  	v4 =	vld [tilespmem:s15+$0x20];
	[tilespmem:s13+$0xE0] =	vst v0  }
0xdc: {  	[tilespmem:s13+$0xFFFFFF60] =	vst v5;
	v0 =	vld [tilespmem:s15+$0xF0]  }
0xdd: {  	v5 =	vld [tilespmem:s15+$0x60];
	[tilespmem:s13+$0xFFFFFFA0] =	vst v1  }
0xde: {  	v6 =	vld [tilespmem:s15+$0xA0];
	[tilespmem:s13+$0xFFFFFFE0] =	vst v3  }
0xdf: {  	v7 =	vld [tilespmem:s15+$0xFFFFFF70];
	[tilespmem:s13+$0xFFFFFF20] =	vst v2  }
0xe0: {  	[tilespmem:s13+$0x20] =	vst v4;
	v8 =	vld [tilespmem:s15+$0xFFFFFF30]  }
0xe1: {  	[tilespmem:s13+$0xF0] =	vst v0;
	v0 =	vld [tilespmem:s15+$0xFFFFFFB0]  }
0xe2: {  	v1 =	vld [tilespmem:s15+$0xFFFFFFF0];
	[tilespmem:s13+$0x60] =	vst v5  }
0xe3: {  	v2 =	vld [tilespmem:s15+$0x30];
	[tilespmem:s13+$0xA0] =	vst v6  }
0xe4: {  	[tilespmem:s13+$0xFFFFFF70] =	vst v7;
	v3 =	vld [tilespmem:s15+$0x70]  }
0xe5: {  	s14 =	simm.s32 $0x0;
	v4 =	vld [tilespmem:s15+$0xB0];
	s15 =	simm.s32 $0x300;
	[tilespmem:s13+$0xFFFFFF30] =	vst v8  }
.LBB2_6:
0xe6: {  	v5 =	vld [tilespmem:s15+$0xC0];
	s14 =	sadd.s32 $0x8, s14;
	[tilespmem:s13+$0xFFFFFFB0] =	vst v0  }
0xe7: {  	v0 =	vld [tilespmem:s15+$0xFFFFFF40];
	p0 =	slt.u32 s14, $0xC0;
	[tilespmem:s13+$0xFFFFFFF0] =	vst v1  }
0xe8: {  	v1 =	vld [tilespmem:s15+$0xFFFFFF80];
	[tilespmem:s13+$0x30] =	vst v2  }
0xe9: {  	v2 =	vld [tilespmem:s15+$0xFFFFFFC0];
	[tilespmem:s13+$0x70] =	vst v3  }
0xea: {  	v3 =	vld [tilespmem:s15+$0x0];
	[tilespmem:s13+$0xB0] =	vst v4;
	s13 =	sadd.s32 $0x200, s13  }
0xeb: {  	v4 =	vld [tilespmem:s15+$0x40];
	[tilespmem:s13+$0xC0] =	vst v5  }
0xec: {  	[tilespmem:s13+$0xFFFFFF40] =	vst v0;
	v0 =	vld [tilespmem:s15+$0xD0]  }
0xed: {  	[tilespmem:s13+$0xFFFFFF80] =	vst v1;
	v1 =	vld [tilespmem:s15+$0x80]  }
0xee: {  	v5 =	vld [tilespmem:s15+$0xFFFFFF00];
	[tilespmem:s13+$0xFFFFFFC0] =	vst v2  }
0xef: {  	v2 =	vld [tilespmem:s15+$0xFFFFFF50];
	[tilespmem:s13+$0x0] =	vst v3  }
0xf0: {  	v3 =	vld [tilespmem:s15+$0xFFFFFF90];
	[tilespmem:s13+$0x40] =	vst v4  }
0xf1: {  	v4 =	vld [tilespmem:s15+$0xFFFFFFD0];
	[tilespmem:s13+$0xD0] =	vst v0  }
0xf2: {  	[tilespmem:s13+$0x80] =	vst v1;
	v0 =	vld [tilespmem:s15+$0xE0]  }
0xf3: {  	[tilespmem:s13+$0xFFFFFF00] =	vst v5;
	v1 =	vld [tilespmem:s15+$0x10]  }
0xf4: {  	v5 =	vld [tilespmem:s15+$0xFFFFFF10];
	[tilespmem:s13+$0xFFFFFF50] =	vst v2  }
0xf5: {  	[tilespmem:s13+$0xFFFFFF90] =	vst v3;
	v2 =	vld [tilespmem:s15+$0x50]  }
0xf6: {  	[tilespmem:s13+$0xFFFFFFD0] =	vst v4;
	v3 =	vld [tilespmem:s15+$0x90]  }
0xf7: {  	v4 =	vld [tilespmem:s15+$0xFFFFFF60];
	[tilespmem:s13+$0xE0] =	vst v0  }
0xf8: {  	[tilespmem:s13+$0x10] =	vst v1;
	v0 =	vld [tilespmem:s15+$0xF0]  }
0xf9: {  	[tilespmem:s13+$0xFFFFFF10] =	vst v5;
	v1 =	vld [tilespmem:s15+$0xFFFFFFA0]  }
0xfa: {  	v5 =	vld [tilespmem:s15+$0xFFFFFF20];
	[tilespmem:s13+$0x50] =	vst v2  }
0xfb: {  	v2 =	vld [tilespmem:s15+$0xFFFFFFE0];
	[tilespmem:s13+$0x90] =	vst v3  }
0xfc: {  	[tilespmem:s13+$0xFFFFFF60] =	vst v4;
	v3 =	vld [tilespmem:s15+$0x20]  }
0xfd: {  	v4 =	vld [tilespmem:s15+$0x60];
	[tilespmem:s13+$0xF0] =	vst v0  }
0xfe: {  	[tilespmem:s13+$0xFFFFFFA0] =	vst v1;
	v6 =	vld [tilespmem:s15+$0xA0]  }
0xff: {  	[tilespmem:s13+$0xFFFFFF20] =	vst v5;
	v5 =	vld [tilespmem:s15+$0xFFFFFF70]  }
0x100: {  	v7 =	vld [tilespmem:s15+$0xFFFFFF30];
	[tilespmem:s13+$0xFFFFFFE0] =	vst v2  }
.Ltmp4:
0x101: {  	v0 =	vld [tilespmem:s15+$0xFFFFFFB0];
	[tilespmem:s13+$0x20] =	vst v3;
	(pc) =	sbr.rel @p0 .LBB2_6-.Ltmp4, $4  }
0x102: {  	v1 =	vld [tilespmem:s15+$0xFFFFFFF0];
	[tilespmem:s13+$0x60] =	vst v4  }
0x103: {  	v2 =	vld [tilespmem:s15+$0x30];
	[tilespmem:s13+$0xA0] =	vst v6  }
0x104: {  	[tilespmem:s13+$0xFFFFFF70] =	vst v5;
	v3 =	vld [tilespmem:s15+$0x70]  }
0x105: {  	[tilespmem:s13+$0xFFFFFF30] =	vst v7;
	v4 =	vld [tilespmem:s15+$0xB0];
	s15 =	sadd.s32 $0x200, s15  }
0x106: {  	[tilespmem:s13+$0xFFFFFFB0] =	vst v0  }
0x107: {  	[tilespmem:s13+$0xFFFFFFF0] =	vst v1  }
0x108: {  	[tilespmem:s13+$0x30] =	vst v2  }
0x109: {  	[tilespmem:s13+$0x70] =	vst v3  }
.Ltmp5:
0x10a: {  	[tilespmem:s13+$0xB0] =	vst v4;
	(pc) =	sbr.rel .LBB2_8-.Ltmp5, $4  }
0x10b: {  	_ =	swait.ge [sflag:s29], $0xC8  }
0x10c: {  	[sflag:s29] =	ssyncset.done $0x0  }
0x10d: {  	s18 =	simm.s32 $0x0;
	[sflag:s29] =	ssyncadd.s32 $0xFFFFFF38  }
0x10e: {  	[tilespmem:s30], [sflag:$0x7] =	stream.indirect.gather.add.f32 [hbm:s6], $0x40, s21, s24, $0xb8;
	[tilespmem:$0xFD20] =	vst v63  }
.LBB2_24:
0x10f: {  	_ =	swait.ge [sflag:s9], $0x3200  }
0x110: {  	[sflag:s9] =	ssyncset.done $0x0  }
0x111: {  	s13 =	rddreg [dreg:$0xc];
	[sflag:s9] =	ssyncadd.s32 $0xFFFFCE00  }
0x112: {  	[hbm4b:s13+s3] =	stream.linear.scatter [tilespmem:s30], [sflag:$0xB], $0x3200, $0x38;
	[tilespmem:$0xFD20] =	vst v63  }
0x113: {  	_ =	swait.ge [sflag:s10], $0x3200  }
0x114: {  	[sflag:s10] =	ssyncset.done $0x0  }
0x115: {  	[sflag:s10] =	ssyncadd.s32 $0xFFFFCE00  }
.LBB2_21:
0x116: {  	s18 =	sadd.s32 $0x1, s18  }
0x117: {  	p0 =	sne.s32 s18, $0x20  }
.Ltmp6:
0x118: {  	s13 =	sadd.s32 s4, s19;
	(pc) =	sbr.rel @!p0 .LBB2_22-.Ltmp6, $3  }
0x119: {  	s13 =	smul.u32 $0x640, s13;
	_ =	sdelay $0x1  }
0x11a: {  	s13 =	sadd.s32 s2, s13  }
0x11b: {  	[hbm4b:s13+s3] =	stream.linear.scatter [tilespmem:s1], [sflag:$0xC], $0x3200, $0x38;
	[tilespmem:$0xFD20] =	vst v63  }
.LBB2_8:
0x11c: {  	p0 =	seq.s32 s18, $0x0  }
0x11d: {  	s13 =	simm.s32 @!p0 $0xC  }
0x11e: {  	_ =	swait.ge @!p0 [sflag:s13], $0x3200  }
0x11f: {  	[sflag:s13] =	ssyncset.done @!p0 $0x0  }
0x120: {  	s17 =	simm.s32 $0x100;
	[sflag:s13] =	ssyncadd.s32 @!p0 $0xFFFFCE00  }
0x121: {  	v0 =	vld [tilespmem:s17+$0xC0]  }
0x122: {  	v1 =	vld [tilespmem:s17+$0xFFFFFF40]  }
0x123: {  	v2 =	vld [tilespmem:s17+$0xFFFFFF80]  }
0x124: {  	v3 =	vld [tilespmem:s17+$0xFFFFFFC0]  }
0x125: {  	s14 =	simm.s32 $0xCC20;
	v4 =	vld [tilespmem:s17+$0x0]  }
0x126: {  	v5 =	vld [tilespmem:s17+$0x40];
	[tilespmem:s14+$0xC0] =	vst v0  }
0x127: {  	[tilespmem:s14+$0xFFFFFF40] =	vst v1;
	v1 =	vld [tilespmem:s17+$0x80]  }
0x128: {  	[tilespmem:s14+$0xFFFFFF80] =	vst v2;
	v2 =	vld [tilespmem:s17+$0xFFFFFF00]  }
0x129: {  	[tilespmem:s14+$0xFFFFFFC0] =	vst v3;
	v0 =	vld [tilespmem:s17+$0xD0]  }
0x12a: {  	[tilespmem:s14+$0x0] =	vst v4;
	v3 =	vld [tilespmem:s17+$0xFFFFFF50]  }
0x12b: {  	[tilespmem:s14+$0x40] =	vst v5;
	v4 =	vld [tilespmem:s17+$0xFFFFFF90]  }
0x12c: {  	v5 =	vld [tilespmem:s17+$0xFFFFFFD0];
	[tilespmem:s14+$0x80] =	vst v1  }
0x12d: {  	[tilespmem:s14+$0xFFFFFF00] =	vst v2;
	v1 =	vld [tilespmem:s17+$0x10]  }
0x12e: {  	[tilespmem:s14+$0xD0] =	vst v0;
	v2 =	vld [tilespmem:s17+$0xFFFFFF10]  }
0x12f: {  	[tilespmem:s14+$0xFFFFFF50] =	vst v3;
	v3 =	vld [tilespmem:s17+$0x50]  }
0x130: {  	[tilespmem:s14+$0xFFFFFF90] =	vst v4;
	v4 =	vld [tilespmem:s17+$0x90]  }
0x131: {  	[tilespmem:s14+$0xFFFFFFD0] =	vst v5;
	v0 =	vld [tilespmem:s17+$0xE0]  }
0x132: {  	v5 =	vld [tilespmem:s17+$0xFFFFFF60];
	[tilespmem:s14+$0x10] =	vst v1  }
0x133: {  	v1 =	vld [tilespmem:s17+$0xFFFFFFA0];
	[tilespmem:s14+$0xFFFFFF10] =	vst v2  }
0x134: {  	[tilespmem:s14+$0x50] =	vst v3;
	v3 =	vld [tilespmem:s17+$0xFFFFFFE0]  }
0x135: {  	[tilespmem:s14+$0x90] =	vst v4;
	v2 =	vld [tilespmem:s17+$0xFFFFFF20]  }
0x136: {  	v4 =	vld [tilespmem:s17+$0x20];
	[tilespmem:s14+$0xE0] =	vst v0  }
0x137: {  	[tilespmem:s14+$0xFFFFFF60] =	vst v5;
	v0 =	vld [tilespmem:s17+$0xF0]  }
0x138: {  	v5 =	vld [tilespmem:s17+$0x60];
	[tilespmem:s14+$0xFFFFFFA0] =	vst v1  }
0x139: {  	v6 =	vld [tilespmem:s17+$0xA0];
	[tilespmem:s14+$0xFFFFFFE0] =	vst v3  }
0x13a: {  	v7 =	vld [tilespmem:s17+$0xFFFFFF70];
	[tilespmem:s14+$0xFFFFFF20] =	vst v2  }
0x13b: {  	[tilespmem:s14+$0x20] =	vst v4;
	v8 =	vld [tilespmem:s17+$0xFFFFFF30]  }
0x13c: {  	[tilespmem:s14+$0xF0] =	vst v0;
	v0 =	vld [tilespmem:s17+$0xFFFFFFB0]  }
0x13d: {  	v1 =	vld [tilespmem:s17+$0xFFFFFFF0];
	[tilespmem:s14+$0x60] =	vst v5  }
0x13e: {  	v2 =	vld [tilespmem:s17+$0x30];
	[tilespmem:s14+$0xA0] =	vst v6  }
0x13f: {  	s19 =	sshllo.u32 s18, $0x2;
	[tilespmem:s14+$0xFFFFFF70] =	vst v7;
	v3 =	vld [tilespmem:s17+$0x70]  }
0x140: {  	s15 =	simm.s32 $0x0;
	s13 =	sshll.u32 s18, $0x2;
	v4 =	vld [tilespmem:s17+$0xB0];
	s17 =	simm.s32 $0x300;
	[tilespmem:s14+$0xFFFFFF30] =	vst v8  }
.LBB2_9:
0x141: {  	v5 =	vld [tilespmem:s17+$0xC0];
	s15 =	sadd.s32 $0x8, s15;
	[tilespmem:s14+$0xFFFFFFB0] =	vst v0  }
0x142: {  	v0 =	vld [tilespmem:s17+$0xFFFFFF40];
	p0 =	slt.u32 s15, $0xC0;
	[tilespmem:s14+$0xFFFFFFF0] =	vst v1  }
0x143: {  	v1 =	vld [tilespmem:s17+$0xFFFFFF80];
	[tilespmem:s14+$0x30] =	vst v2  }
0x144: {  	v2 =	vld [tilespmem:s17+$0xFFFFFFC0];
	[tilespmem:s14+$0x70] =	vst v3  }
0x145: {  	v3 =	vld [tilespmem:s17+$0x0];
	[tilespmem:s14+$0xB0] =	vst v4;
	s14 =	sadd.s32 $0x200, s14  }
0x146: {  	v4 =	vld [tilespmem:s17+$0x40];
	[tilespmem:s14+$0xC0] =	vst v5  }
0x147: {  	[tilespmem:s14+$0xFFFFFF40] =	vst v0;
	v0 =	vld [tilespmem:s17+$0xD0]  }
0x148: {  	[tilespmem:s14+$0xFFFFFF80] =	vst v1;
	v1 =	vld [tilespmem:s17+$0x80]  }
0x149: {  	v5 =	vld [tilespmem:s17+$0xFFFFFF00];
	[tilespmem:s14+$0xFFFFFFC0] =	vst v2  }
0x14a: {  	v2 =	vld [tilespmem:s17+$0xFFFFFF50];
	[tilespmem:s14+$0x0] =	vst v3  }
0x14b: {  	v3 =	vld [tilespmem:s17+$0xFFFFFF90];
	[tilespmem:s14+$0x40] =	vst v4  }
0x14c: {  	v4 =	vld [tilespmem:s17+$0xFFFFFFD0];
	[tilespmem:s14+$0xD0] =	vst v0  }
0x14d: {  	[tilespmem:s14+$0x80] =	vst v1;
	v0 =	vld [tilespmem:s17+$0xE0]  }
0x14e: {  	[tilespmem:s14+$0xFFFFFF00] =	vst v5;
	v1 =	vld [tilespmem:s17+$0x10]  }
0x14f: {  	v5 =	vld [tilespmem:s17+$0xFFFFFF10];
	[tilespmem:s14+$0xFFFFFF50] =	vst v2  }
0x150: {  	[tilespmem:s14+$0xFFFFFF90] =	vst v3;
	v2 =	vld [tilespmem:s17+$0x50]  }
0x151: {  	[tilespmem:s14+$0xFFFFFFD0] =	vst v4;
	v3 =	vld [tilespmem:s17+$0x90]  }
0x152: {  	v4 =	vld [tilespmem:s17+$0xFFFFFF60];
	[tilespmem:s14+$0xE0] =	vst v0  }
0x153: {  	[tilespmem:s14+$0x10] =	vst v1;
	v0 =	vld [tilespmem:s17+$0xF0]  }
0x154: {  	[tilespmem:s14+$0xFFFFFF10] =	vst v5;
	v1 =	vld [tilespmem:s17+$0xFFFFFFA0]  }
0x155: {  	v5 =	vld [tilespmem:s17+$0xFFFFFF20];
	[tilespmem:s14+$0x50] =	vst v2  }
0x156: {  	v2 =	vld [tilespmem:s17+$0xFFFFFFE0];
	[tilespmem:s14+$0x90] =	vst v3  }
0x157: {  	[tilespmem:s14+$0xFFFFFF60] =	vst v4;
	v3 =	vld [tilespmem:s17+$0x20]  }
0x158: {  	v4 =	vld [tilespmem:s17+$0x60];
	[tilespmem:s14+$0xF0] =	vst v0  }
0x159: {  	[tilespmem:s14+$0xFFFFFFA0] =	vst v1;
	v6 =	vld [tilespmem:s17+$0xA0]  }
0x15a: {  	[tilespmem:s14+$0xFFFFFF20] =	vst v5;
	v5 =	vld [tilespmem:s17+$0xFFFFFF70]  }
0x15b: {  	v7 =	vld [tilespmem:s17+$0xFFFFFF30];
	[tilespmem:s14+$0xFFFFFFE0] =	vst v2  }
.Ltmp7:
0x15c: {  	v0 =	vld [tilespmem:s17+$0xFFFFFFB0];
	[tilespmem:s14+$0x20] =	vst v3;
	(pc) =	sbr.rel @p0 .LBB2_9-.Ltmp7, $4  }
0x15d: {  	v1 =	vld [tilespmem:s17+$0xFFFFFFF0];
	[tilespmem:s14+$0x60] =	vst v4  }
0x15e: {  	v2 =	vld [tilespmem:s17+$0x30];
	[tilespmem:s14+$0xA0] =	vst v6  }
0x15f: {  	[tilespmem:s14+$0xFFFFFF70] =	vst v5;
	v3 =	vld [tilespmem:s17+$0x70]  }
0x160: {  	[tilespmem:s14+$0xFFFFFF30] =	vst v7;
	v4 =	vld [tilespmem:s17+$0xB0];
	s17 =	sadd.s32 $0x200, s17  }
0x161: {  	[tilespmem:s14+$0xFFFFFFB0] =	vst v0  }
0x162: {  	[tilespmem:s14+$0xFFFFFFF0] =	vst v1  }
0x163: {  	[tilespmem:s14+$0x30] =	vst v2  }
0x164: {  	[tilespmem:s14+$0x70] =	vst v3  }
0x165: {  	[tilespmem:s14+$0xB0] =	vst v4  }
0x166: {  	_ =	swait.ge [sflag:s31], $0xC8  }
0x167: {  	p0 =	seq.s32 s18, $0x1F;
	[sflag:s31] =	ssyncset.done $0x0  }
0x168: {  	s15 =	sadd.s32 s4, s13;
	s14 =	sadd.s32 @!p0 s13, s12;
	[sflag:s31] =	ssyncadd.s32 $0xFFFFFF38  }
0x169: {  	[tilespmem:s1], [sflag:$0x8] =	stream.indirect.gather.add.f32 [hbm:s6], $0x40, s22, s24, $0xb8;
	[tilespmem:$0xFD20] =	vst v63  }
0x16a: {  	s17 =	simm.s32 @!p0 $0x0;
	s14 =	smul.u32 @!p0 $0x19, s14;
	_ =	swait.ge [sflag:s0], $0x3200  }
.Ltmp8:
0x16b: {  	s20 =	simm.s32 @!p0 $0x3200;
	[sflag:s0] =	ssyncset.done $0x0;
	(pc) =	sbr.rel @!p0 .LBB2_11-.Ltmp8, $4  }
0x16c: {  	s15 =	smul.u32 $0x640, s15;
	s14 =	sadd.s32 @!p0 s5, s14;
	[sflag:s0] =	ssyncadd.s32 $0xFFFFCE00  }
0x16d: {  	[tilespmem:s20], [sflag:$0x1] =	stream.linear.gather @!p0 [hbm4b:s14+s17], $0xC8, $0x38;
	[tilespmem:$0xFD20] =	vst v63  }
0x16e: {  	s20 =	sadd.s32 s2, s15  }
0x16f: {  	[hbm4b:s20+s3] =	stream.linear.scatter [tilespmem:s25], [sflag:$0x9], $0x3200, $0x38;
	[tilespmem:$0xFD20] =	vst v63  }
.Ltmp9:
0x170: {  	(pc) =	sbr.rel .LBB2_15-.Ltmp9, $4  }
0x171: {  	_ = 	snop  }
0x172: {  	_ =	swait.ge [sflag:s8], $0x3200  }
0x173: {  	[sflag:s8] =	ssyncset.done $0x0  }
0x174: {  	[sflag:s8] =	ssyncadd.s32 $0xFFFFCE00  }
.LBB2_11:
0x175: {  	_ =	swait.ge [sflag:s11], $0x3200  }
0x176: {  	[sflag:s11] =	ssyncset.done $0x0  }
0x177: {  	s17 =	simm.s32 $0x100;
	[sflag:s11] =	ssyncadd.s32 $0xFFFFCE00  }
0x178: {  	v0 =	vld [tilespmem:s17+$0xC0]  }
0x179: {  	v1 =	vld [tilespmem:s17+$0xFFFFFF40]  }
0x17a: {  	v2 =	vld [tilespmem:s17+$0xFFFFFF80]  }
0x17b: {  	v3 =	vld [tilespmem:s17+$0xFFFFFFC0]  }
0x17c: {  	s14 =	simm.s32 $0x3620;
	v4 =	vld [tilespmem:s17+$0x0]  }
0x17d: {  	v5 =	vld [tilespmem:s17+$0x40];
	[tilespmem:s14+$0xC0] =	vst v0  }
0x17e: {  	[tilespmem:s14+$0xFFFFFF40] =	vst v1;
	v1 =	vld [tilespmem:s17+$0x80]  }
0x17f: {  	[tilespmem:s14+$0xFFFFFF80] =	vst v2;
	v2 =	vld [tilespmem:s17+$0xFFFFFF00]  }
0x180: {  	[tilespmem:s14+$0xFFFFFFC0] =	vst v3;
	v0 =	vld [tilespmem:s17+$0xD0]  }
0x181: {  	[tilespmem:s14+$0x0] =	vst v4;
	v3 =	vld [tilespmem:s17+$0xFFFFFF50]  }
0x182: {  	[tilespmem:s14+$0x40] =	vst v5;
	v4 =	vld [tilespmem:s17+$0xFFFFFF90]  }
0x183: {  	v5 =	vld [tilespmem:s17+$0xFFFFFFD0];
	[tilespmem:s14+$0x80] =	vst v1  }
0x184: {  	[tilespmem:s14+$0xFFFFFF00] =	vst v2;
	v1 =	vld [tilespmem:s17+$0x10]  }
0x185: {  	[tilespmem:s14+$0xD0] =	vst v0;
	v2 =	vld [tilespmem:s17+$0xFFFFFF10]  }
0x186: {  	[tilespmem:s14+$0xFFFFFF50] =	vst v3;
	v3 =	vld [tilespmem:s17+$0x50]  }
0x187: {  	[tilespmem:s14+$0xFFFFFF90] =	vst v4;
	v4 =	vld [tilespmem:s17+$0x90]  }
0x188: {  	[tilespmem:s14+$0xFFFFFFD0] =	vst v5;
	v0 =	vld [tilespmem:s17+$0xE0]  }
0x189: {  	v5 =	vld [tilespmem:s17+$0xFFFFFF60];
	[tilespmem:s14+$0x10] =	vst v1  }
0x18a: {  	v1 =	vld [tilespmem:s17+$0xFFFFFFA0];
	[tilespmem:s14+$0xFFFFFF10] =	vst v2  }
0x18b: {  	[tilespmem:s14+$0x50] =	vst v3;
	v3 =	vld [tilespmem:s17+$0xFFFFFFE0]  }
0x18c: {  	[tilespmem:s14+$0x90] =	vst v4;
	v2 =	vld [tilespmem:s17+$0xFFFFFF20]  }
0x18d: {  	v4 =	vld [tilespmem:s17+$0x20];
	[tilespmem:s14+$0xE0] =	vst v0  }
0x18e: {  	[tilespmem:s14+$0xFFFFFF60] =	vst v5;
	v0 =	vld [tilespmem:s17+$0xF0]  }
0x18f: {  	v5 =	vld [tilespmem:s17+$0x60];
	[tilespmem:s14+$0xFFFFFFA0] =	vst v1  }
0x190: {  	v6 =	vld [tilespmem:s17+$0xA0];
	[tilespmem:s14+$0xFFFFFFE0] =	vst v3  }
0x191: {  	v7 =	vld [tilespmem:s17+$0xFFFFFF70];
	[tilespmem:s14+$0xFFFFFF20] =	vst v2  }
0x192: {  	[tilespmem:s14+$0x20] =	vst v4;
	v8 =	vld [tilespmem:s17+$0xFFFFFF30]  }
0x193: {  	[tilespmem:s14+$0xF0] =	vst v0;
	v0 =	vld [tilespmem:s17+$0xFFFFFFB0]  }
0x194: {  	v1 =	vld [tilespmem:s17+$0xFFFFFFF0];
	[tilespmem:s14+$0x60] =	vst v5  }
0x195: {  	v2 =	vld [tilespmem:s17+$0x30];
	[tilespmem:s14+$0xA0] =	vst v6  }
0x196: {  	[tilespmem:s14+$0xFFFFFF70] =	vst v7;
	v3 =	vld [tilespmem:s17+$0x70]  }
0x197: {  	s15 =	simm.s32 $0x0;
	v4 =	vld [tilespmem:s17+$0xB0];
	s17 =	simm.s32 $0x300;
	[tilespmem:s14+$0xFFFFFF30] =	vst v8  }
.LBB2_12:
0x198: {  	v5 =	vld [tilespmem:s17+$0xC0];
	s15 =	sadd.s32 $0x8, s15;
	[tilespmem:s14+$0xFFFFFFB0] =	vst v0  }
0x199: {  	v0 =	vld [tilespmem:s17+$0xFFFFFF40];
	p1 =	slt.u32 s15, $0xC0;
	[tilespmem:s14+$0xFFFFFFF0] =	vst v1  }
0x19a: {  	v1 =	vld [tilespmem:s17+$0xFFFFFF80];
	[tilespmem:s14+$0x30] =	vst v2  }
0x19b: {  	v2 =	vld [tilespmem:s17+$0xFFFFFFC0];
	[tilespmem:s14+$0x70] =	vst v3  }
0x19c: {  	v3 =	vld [tilespmem:s17+$0x0];
	[tilespmem:s14+$0xB0] =	vst v4;
	s14 =	sadd.s32 $0x200, s14  }
0x19d: {  	v4 =	vld [tilespmem:s17+$0x40];
	[tilespmem:s14+$0xC0] =	vst v5  }
0x19e: {  	[tilespmem:s14+$0xFFFFFF40] =	vst v0;
	v0 =	vld [tilespmem:s17+$0xD0]  }
0x19f: {  	[tilespmem:s14+$0xFFFFFF80] =	vst v1;
	v1 =	vld [tilespmem:s17+$0x80]  }
0x1a0: {  	v5 =	vld [tilespmem:s17+$0xFFFFFF00];
	[tilespmem:s14+$0xFFFFFFC0] =	vst v2  }
0x1a1: {  	v2 =	vld [tilespmem:s17+$0xFFFFFF50];
	[tilespmem:s14+$0x0] =	vst v3  }
0x1a2: {  	v3 =	vld [tilespmem:s17+$0xFFFFFF90];
	[tilespmem:s14+$0x40] =	vst v4  }
0x1a3: {  	v4 =	vld [tilespmem:s17+$0xFFFFFFD0];
	[tilespmem:s14+$0xD0] =	vst v0  }
0x1a4: {  	[tilespmem:s14+$0x80] =	vst v1;
	v0 =	vld [tilespmem:s17+$0xE0]  }
0x1a5: {  	[tilespmem:s14+$0xFFFFFF00] =	vst v5;
	v1 =	vld [tilespmem:s17+$0x10]  }
0x1a6: {  	v5 =	vld [tilespmem:s17+$0xFFFFFF10];
	[tilespmem:s14+$0xFFFFFF50] =	vst v2  }
0x1a7: {  	[tilespmem:s14+$0xFFFFFF90] =	vst v3;
	v2 =	vld [tilespmem:s17+$0x50]  }
0x1a8: {  	[tilespmem:s14+$0xFFFFFFD0] =	vst v4;
	v3 =	vld [tilespmem:s17+$0x90]  }
0x1a9: {  	v4 =	vld [tilespmem:s17+$0xFFFFFF60];
	[tilespmem:s14+$0xE0] =	vst v0  }
0x1aa: {  	[tilespmem:s14+$0x10] =	vst v1;
	v0 =	vld [tilespmem:s17+$0xF0]  }
0x1ab: {  	[tilespmem:s14+$0xFFFFFF10] =	vst v5;
	v1 =	vld [tilespmem:s17+$0xFFFFFFA0]  }
0x1ac: {  	v5 =	vld [tilespmem:s17+$0xFFFFFF20];
	[tilespmem:s14+$0x50] =	vst v2  }
0x1ad: {  	v2 =	vld [tilespmem:s17+$0xFFFFFFE0];
	[tilespmem:s14+$0x90] =	vst v3  }
0x1ae: {  	[tilespmem:s14+$0xFFFFFF60] =	vst v4;
	v3 =	vld [tilespmem:s17+$0x20]  }
0x1af: {  	v4 =	vld [tilespmem:s17+$0x60];
	[tilespmem:s14+$0xF0] =	vst v0  }
0x1b0: {  	[tilespmem:s14+$0xFFFFFFA0] =	vst v1;
	v6 =	vld [tilespmem:s17+$0xA0]  }
0x1b1: {  	[tilespmem:s14+$0xFFFFFF20] =	vst v5;
	v5 =	vld [tilespmem:s17+$0xFFFFFF70]  }
0x1b2: {  	v7 =	vld [tilespmem:s17+$0xFFFFFF30];
	[tilespmem:s14+$0xFFFFFFE0] =	vst v2  }
.Ltmp10:
0x1b3: {  	v0 =	vld [tilespmem:s17+$0xFFFFFFB0];
	[tilespmem:s14+$0x20] =	vst v3;
	(pc) =	sbr.rel @p1 .LBB2_12-.Ltmp10, $4  }
0x1b4: {  	v1 =	vld [tilespmem:s17+$0xFFFFFFF0];
	[tilespmem:s14+$0x60] =	vst v4  }
0x1b5: {  	v2 =	vld [tilespmem:s17+$0x30];
	[tilespmem:s14+$0xA0] =	vst v6  }
0x1b6: {  	[tilespmem:s14+$0xFFFFFF70] =	vst v5;
	v3 =	vld [tilespmem:s17+$0x70]  }
0x1b7: {  	[tilespmem:s14+$0xFFFFFF30] =	vst v7;
	v4 =	vld [tilespmem:s17+$0xB0];
	s17 =	sadd.s32 $0x200, s17  }
0x1b8: {  	[tilespmem:s14+$0xFFFFFFB0] =	vst v0  }
0x1b9: {  	[tilespmem:s14+$0xFFFFFFF0] =	vst v1  }
0x1ba: {  	[tilespmem:s14+$0x30] =	vst v2  }
0x1bb: {  	[tilespmem:s14+$0x70] =	vst v3  }
0x1bc: {  	[tilespmem:s14+$0xB0] =	vst v4  }
0x1bd: {  	_ =	swait.ge [sflag:s23], $0xC8  }
0x1be: {  	[sflag:s23] =	ssyncset.done $0x0;
	s20 =	rddreg [dreg:$0x8]  }
0x1bf: {  	s17 =	simm.s32 $0x3200;
	[sflag:s23] =	ssyncadd.s32 $0xFFFFFF38;
	s14 =	sadd.s32 s13, s20  }
0x1c0: {  	[tilespmem:s25], [sflag:$0x5] =	stream.indirect.gather.add.f32 [hbm:s6], $0x40, s17, s24, $0xb8;
	[tilespmem:$0xFD20] =	vst v63  }
0x1c1: {  	s14 =	smul.u32 $0x19, s14;
	_ =	swait.ge [sflag:s8], $0x3200  }
0x1c2: {  	[sflag:s8] =	ssyncset.done $0x0  }
0x1c3: {  	s15 =	simm.s32 $0x32C8;
	s14 =	sadd.s32 s5, s14;
	[sflag:s8] =	ssyncadd.s32 $0xFFFFCE00  }
0x1c4: {  	[tilespmem:s15], [sflag:$0x2] =	stream.linear.gather [hbm4b:s14+s3], $0xC8, $0x38;
	[tilespmem:$0xFD20] =	vst v63  }
.LBB2_15:
0x1c5: {  	s14 =	sor.u32 $0x1, s13  }
.Ltmp11:
0x1c6: {  	s14 =	sadd.s32 s4, s14;
	(pc) =	sbr.rel @p0 .LBB2_24-.Ltmp11, $3  }
0x1c7: {  	s14 =	smul.u32 $0x640, s14;
	_ =	sdelay $0x1  }
0x1c8: {  	s14 =	sadd.s32 s2, s14  }
0x1c9: {  	[hbm4b:s14+s3] =	stream.linear.scatter [tilespmem:s28], [sflag:$0xA], $0x3200, $0x38;
	[tilespmem:$0xFD20] =	vst v63  }
0x1ca: {  	_ =	swait.ge [sflag:s16], $0x3200  }
0x1cb: {  	[sflag:s16] =	ssyncset.done $0x0  }
0x1cc: {  	s20 =	simm.s32 $0x100;
	[sflag:s16] =	ssyncadd.s32 $0xFFFFCE00  }
0x1cd: {  	v0 =	vld [tilespmem:s20+$0xC0]  }
0x1ce: {  	v1 =	vld [tilespmem:s20+$0xFFFFFF40]  }
0x1cf: {  	v2 =	vld [tilespmem:s20+$0xFFFFFF80]  }
0x1d0: {  	v3 =	vld [tilespmem:s20+$0xFFFFFFC0]  }
0x1d1: {  	s14 =	simm.s32 $0x6820;
	v4 =	vld [tilespmem:s20+$0x0]  }
0x1d2: {  	v5 =	vld [tilespmem:s20+$0x40];
	[tilespmem:s14+$0xC0] =	vst v0  }
0x1d3: {  	[tilespmem:s14+$0xFFFFFF40] =	vst v1;
	v1 =	vld [tilespmem:s20+$0x80]  }
0x1d4: {  	[tilespmem:s14+$0xFFFFFF80] =	vst v2;
	v2 =	vld [tilespmem:s20+$0xFFFFFF00]  }
0x1d5: {  	[tilespmem:s14+$0xFFFFFFC0] =	vst v3;
	v0 =	vld [tilespmem:s20+$0xD0]  }
0x1d6: {  	[tilespmem:s14+$0x0] =	vst v4;
	v3 =	vld [tilespmem:s20+$0xFFFFFF50]  }
0x1d7: {  	[tilespmem:s14+$0x40] =	vst v5;
	v4 =	vld [tilespmem:s20+$0xFFFFFF90]  }
0x1d8: {  	v5 =	vld [tilespmem:s20+$0xFFFFFFD0];
	[tilespmem:s14+$0x80] =	vst v1  }
0x1d9: {  	[tilespmem:s14+$0xFFFFFF00] =	vst v2;
	v1 =	vld [tilespmem:s20+$0x10]  }
0x1da: {  	[tilespmem:s14+$0xD0] =	vst v0;
	v2 =	vld [tilespmem:s20+$0xFFFFFF10]  }
0x1db: {  	[tilespmem:s14+$0xFFFFFF50] =	vst v3;
	v3 =	vld [tilespmem:s20+$0x50]  }
0x1dc: {  	[tilespmem:s14+$0xFFFFFF90] =	vst v4;
	v4 =	vld [tilespmem:s20+$0x90]  }
0x1dd: {  	[tilespmem:s14+$0xFFFFFFD0] =	vst v5;
	v0 =	vld [tilespmem:s20+$0xE0]  }
0x1de: {  	v5 =	vld [tilespmem:s20+$0xFFFFFF60];
	[tilespmem:s14+$0x10] =	vst v1  }
0x1df: {  	v1 =	vld [tilespmem:s20+$0xFFFFFFA0];
	[tilespmem:s14+$0xFFFFFF10] =	vst v2  }
0x1e0: {  	[tilespmem:s14+$0x50] =	vst v3;
	v3 =	vld [tilespmem:s20+$0xFFFFFFE0]  }
0x1e1: {  	[tilespmem:s14+$0x90] =	vst v4;
	v2 =	vld [tilespmem:s20+$0xFFFFFF20]  }
0x1e2: {  	v4 =	vld [tilespmem:s20+$0x20];
	[tilespmem:s14+$0xE0] =	vst v0  }
0x1e3: {  	[tilespmem:s14+$0xFFFFFF60] =	vst v5;
	v0 =	vld [tilespmem:s20+$0xF0]  }
0x1e4: {  	v5 =	vld [tilespmem:s20+$0x60];
	[tilespmem:s14+$0xFFFFFFA0] =	vst v1  }
0x1e5: {  	v6 =	vld [tilespmem:s20+$0xA0];
	[tilespmem:s14+$0xFFFFFFE0] =	vst v3  }
0x1e6: {  	v7 =	vld [tilespmem:s20+$0xFFFFFF70];
	[tilespmem:s14+$0xFFFFFF20] =	vst v2  }
0x1e7: {  	[tilespmem:s14+$0x20] =	vst v4;
	v8 =	vld [tilespmem:s20+$0xFFFFFF30]  }
0x1e8: {  	[tilespmem:s14+$0xF0] =	vst v0;
	v0 =	vld [tilespmem:s20+$0xFFFFFFB0]  }
0x1e9: {  	v1 =	vld [tilespmem:s20+$0xFFFFFFF0];
	[tilespmem:s14+$0x60] =	vst v5  }
0x1ea: {  	v2 =	vld [tilespmem:s20+$0x30];
	[tilespmem:s14+$0xA0] =	vst v6  }
0x1eb: {  	[tilespmem:s14+$0xFFFFFF70] =	vst v7;
	v3 =	vld [tilespmem:s20+$0x70]  }
0x1ec: {  	s15 =	sor.u32 $0x2, s13;
	s17 =	simm.s32 $0x0;
	v4 =	vld [tilespmem:s20+$0xB0];
	s20 =	simm.s32 $0x300;
	[tilespmem:s14+$0xFFFFFF30] =	vst v8  }
.LBB2_17:
0x1ed: {  	v5 =	vld [tilespmem:s20+$0xC0];
	s17 =	sadd.s32 $0x8, s17;
	[tilespmem:s14+$0xFFFFFFB0] =	vst v0  }
0x1ee: {  	v0 =	vld [tilespmem:s20+$0xFFFFFF40];
	p0 =	slt.u32 s17, $0xC0;
	[tilespmem:s14+$0xFFFFFFF0] =	vst v1  }
0x1ef: {  	v1 =	vld [tilespmem:s20+$0xFFFFFF80];
	[tilespmem:s14+$0x30] =	vst v2  }
0x1f0: {  	v2 =	vld [tilespmem:s20+$0xFFFFFFC0];
	[tilespmem:s14+$0x70] =	vst v3  }
0x1f1: {  	v3 =	vld [tilespmem:s20+$0x0];
	[tilespmem:s14+$0xB0] =	vst v4;
	s14 =	sadd.s32 $0x200, s14  }
0x1f2: {  	v4 =	vld [tilespmem:s20+$0x40];
	[tilespmem:s14+$0xC0] =	vst v5  }
0x1f3: {  	[tilespmem:s14+$0xFFFFFF40] =	vst v0;
	v0 =	vld [tilespmem:s20+$0xD0]  }
0x1f4: {  	[tilespmem:s14+$0xFFFFFF80] =	vst v1;
	v1 =	vld [tilespmem:s20+$0x80]  }
0x1f5: {  	v5 =	vld [tilespmem:s20+$0xFFFFFF00];
	[tilespmem:s14+$0xFFFFFFC0] =	vst v2  }
0x1f6: {  	v2 =	vld [tilespmem:s20+$0xFFFFFF50];
	[tilespmem:s14+$0x0] =	vst v3  }
0x1f7: {  	v3 =	vld [tilespmem:s20+$0xFFFFFF90];
	[tilespmem:s14+$0x40] =	vst v4  }
0x1f8: {  	v4 =	vld [tilespmem:s20+$0xFFFFFFD0];
	[tilespmem:s14+$0xD0] =	vst v0  }
0x1f9: {  	[tilespmem:s14+$0x80] =	vst v1;
	v0 =	vld [tilespmem:s20+$0xE0]  }
0x1fa: {  	[tilespmem:s14+$0xFFFFFF00] =	vst v5;
	v1 =	vld [tilespmem:s20+$0x10]  }
0x1fb: {  	v5 =	vld [tilespmem:s20+$0xFFFFFF10];
	[tilespmem:s14+$0xFFFFFF50] =	vst v2  }
0x1fc: {  	[tilespmem:s14+$0xFFFFFF90] =	vst v3;
	v2 =	vld [tilespmem:s20+$0x50]  }
0x1fd: {  	[tilespmem:s14+$0xFFFFFFD0] =	vst v4;
	v3 =	vld [tilespmem:s20+$0x90]  }
0x1fe: {  	v4 =	vld [tilespmem:s20+$0xFFFFFF60];
	[tilespmem:s14+$0xE0] =	vst v0  }
0x1ff: {  	[tilespmem:s14+$0x10] =	vst v1;
	v0 =	vld [tilespmem:s20+$0xF0]  }
0x200: {  	[tilespmem:s14+$0xFFFFFF10] =	vst v5;
	v1 =	vld [tilespmem:s20+$0xFFFFFFA0]  }
0x201: {  	v5 =	vld [tilespmem:s20+$0xFFFFFF20];
	[tilespmem:s14+$0x50] =	vst v2  }
0x202: {  	v2 =	vld [tilespmem:s20+$0xFFFFFFE0];
	[tilespmem:s14+$0x90] =	vst v3  }
0x203: {  	[tilespmem:s14+$0xFFFFFF60] =	vst v4;
	v3 =	vld [tilespmem:s20+$0x20]  }
0x204: {  	v4 =	vld [tilespmem:s20+$0x60];
	[tilespmem:s14+$0xF0] =	vst v0  }
0x205: {  	[tilespmem:s14+$0xFFFFFFA0] =	vst v1;
	v6 =	vld [tilespmem:s20+$0xA0]  }
0x206: {  	[tilespmem:s14+$0xFFFFFF20] =	vst v5;
	v5 =	vld [tilespmem:s20+$0xFFFFFF70]  }
0x207: {  	v7 =	vld [tilespmem:s20+$0xFFFFFF30];
	[tilespmem:s14+$0xFFFFFFE0] =	vst v2  }
.Ltmp12:
0x208: {  	v0 =	vld [tilespmem:s20+$0xFFFFFFB0];
	[tilespmem:s14+$0x20] =	vst v3;
	(pc) =	sbr.rel @p0 .LBB2_17-.Ltmp12, $4  }
0x209: {  	v1 =	vld [tilespmem:s20+$0xFFFFFFF0];
	[tilespmem:s14+$0x60] =	vst v4  }
0x20a: {  	v2 =	vld [tilespmem:s20+$0x30];
	[tilespmem:s14+$0xA0] =	vst v6  }
0x20b: {  	[tilespmem:s14+$0xFFFFFF70] =	vst v5;
	v3 =	vld [tilespmem:s20+$0x70]  }
0x20c: {  	[tilespmem:s14+$0xFFFFFF30] =	vst v7;
	v4 =	vld [tilespmem:s20+$0xB0];
	s20 =	sadd.s32 $0x200, s20  }
0x20d: {  	[tilespmem:s14+$0xFFFFFFB0] =	vst v0  }
0x20e: {  	[tilespmem:s14+$0xFFFFFFF0] =	vst v1  }
0x20f: {  	[tilespmem:s14+$0x30] =	vst v2  }
0x210: {  	[tilespmem:s14+$0x70] =	vst v3  }
0x211: {  	[tilespmem:s14+$0xB0] =	vst v4  }
0x212: {  	_ =	swait.ge [sflag:s26], $0xC8  }
0x213: {  	[sflag:s26] =	ssyncset.done $0x0;
	s17 =	rddreg [dreg:$0x9]  }
0x214: {  	s20 =	simm.s32 $0x32C8;
	[sflag:s26] =	ssyncadd.s32 $0xFFFFFF38;
	s14 =	sadd.s32 s13, s17  }
0x215: {  	[tilespmem:s28], [sflag:$0x6] =	stream.indirect.gather.add.f32 [hbm:s6], $0x40, s20, s24, $0xb8;
	[tilespmem:$0xFD20] =	vst v63  }
0x216: {  	s14 =	smul.u32 $0x19, s14;
	_ =	swait.ge [sflag:s9], $0x3200  }
0x217: {  	s15 =	sadd.s32 s4, s15;
	[sflag:s9] =	ssyncset.done $0x0  }
0x218: {  	s15 =	smul.u32 $0x640, s15;
	s14 =	sadd.s32 s5, s14;
	[sflag:s9] =	ssyncadd.s32 $0xFFFFCE00  }
0x219: {  	[tilespmem:s21], [sflag:$0x3] =	stream.linear.gather [hbm4b:s14+s3], $0xC8, $0x38;
	[tilespmem:$0xFD20] =	vst v63  }
0x21a: {  	s20 =	sadd.s32 s2, s15  }
0x21b: {  	[hbm4b:s20+s3] =	stream.linear.scatter [tilespmem:s30], [sflag:$0xB], $0x3200, $0x38;
	[tilespmem:$0xFD20] =	vst v63  }
0x21c: {  	_ =	swait.ge [sflag:s7], $0x3200  }
0x21d: {  	[sflag:s7] =	ssyncset.done $0x0  }
0x21e: {  	s17 =	simm.s32 $0x100;
	[sflag:s7] =	ssyncadd.s32 $0xFFFFCE00  }
0x21f: {  	v0 =	vld [tilespmem:s17+$0xC0]  }
0x220: {  	v1 =	vld [tilespmem:s17+$0xFFFFFF40]  }
0x221: {  	v2 =	vld [tilespmem:s17+$0xFFFFFF80]  }
0x222: {  	v3 =	vld [tilespmem:s17+$0xFFFFFFC0]  }
0x223: {  	s14 =	simm.s32 $0x9A20;
	v4 =	vld [tilespmem:s17+$0x0]  }
0x224: {  	v5 =	vld [tilespmem:s17+$0x40];
	[tilespmem:s14+$0xC0] =	vst v0  }
0x225: {  	[tilespmem:s14+$0xFFFFFF40] =	vst v1;
	v1 =	vld [tilespmem:s17+$0x80]  }
0x226: {  	[tilespmem:s14+$0xFFFFFF80] =	vst v2;
	v2 =	vld [tilespmem:s17+$0xFFFFFF00]  }
0x227: {  	[tilespmem:s14+$0xFFFFFFC0] =	vst v3;
	v0 =	vld [tilespmem:s17+$0xD0]  }
0x228: {  	[tilespmem:s14+$0x0] =	vst v4;
	v3 =	vld [tilespmem:s17+$0xFFFFFF50]  }
0x229: {  	[tilespmem:s14+$0x40] =	vst v5;
	v4 =	vld [tilespmem:s17+$0xFFFFFF90]  }
0x22a: {  	v5 =	vld [tilespmem:s17+$0xFFFFFFD0];
	[tilespmem:s14+$0x80] =	vst v1  }
0x22b: {  	[tilespmem:s14+$0xFFFFFF00] =	vst v2;
	v1 =	vld [tilespmem:s17+$0x10]  }
0x22c: {  	[tilespmem:s14+$0xD0] =	vst v0;
	v2 =	vld [tilespmem:s17+$0xFFFFFF10]  }
0x22d: {  	[tilespmem:s14+$0xFFFFFF50] =	vst v3;
	v3 =	vld [tilespmem:s17+$0x50]  }
0x22e: {  	[tilespmem:s14+$0xFFFFFF90] =	vst v4;
	v4 =	vld [tilespmem:s17+$0x90]  }
0x22f: {  	[tilespmem:s14+$0xFFFFFFD0] =	vst v5;
	v0 =	vld [tilespmem:s17+$0xE0]  }
0x230: {  	v5 =	vld [tilespmem:s17+$0xFFFFFF60];
	[tilespmem:s14+$0x10] =	vst v1  }
0x231: {  	v1 =	vld [tilespmem:s17+$0xFFFFFFA0];
	[tilespmem:s14+$0xFFFFFF10] =	vst v2  }
0x232: {  	[tilespmem:s14+$0x50] =	vst v3;
	v3 =	vld [tilespmem:s17+$0xFFFFFFE0]  }
0x233: {  	[tilespmem:s14+$0x90] =	vst v4;
	v2 =	vld [tilespmem:s17+$0xFFFFFF20]  }
0x234: {  	v4 =	vld [tilespmem:s17+$0x20];
	[tilespmem:s14+$0xE0] =	vst v0  }
0x235: {  	[tilespmem:s14+$0xFFFFFF60] =	vst v5;
	v0 =	vld [tilespmem:s17+$0xF0]  }
0x236: {  	v5 =	vld [tilespmem:s17+$0x60];
	[tilespmem:s14+$0xFFFFFFA0] =	vst v1  }
0x237: {  	v6 =	vld [tilespmem:s17+$0xA0];
	[tilespmem:s14+$0xFFFFFFE0] =	vst v3  }
0x238: {  	v7 =	vld [tilespmem:s17+$0xFFFFFF70];
	[tilespmem:s14+$0xFFFFFF20] =	vst v2  }
0x239: {  	[tilespmem:s14+$0x20] =	vst v4;
	v8 =	vld [tilespmem:s17+$0xFFFFFF30]  }
0x23a: {  	[tilespmem:s14+$0xF0] =	vst v0;
	v0 =	vld [tilespmem:s17+$0xFFFFFFB0]  }
0x23b: {  	v1 =	vld [tilespmem:s17+$0xFFFFFFF0];
	[tilespmem:s14+$0x60] =	vst v5  }
0x23c: {  	v2 =	vld [tilespmem:s17+$0x30];
	[tilespmem:s14+$0xA0] =	vst v6  }
0x23d: {  	[tilespmem:s14+$0xFFFFFF70] =	vst v7;
	v3 =	vld [tilespmem:s17+$0x70]  }
0x23e: {  	s15 =	simm.s32 $0x0;
	v4 =	vld [tilespmem:s17+$0xB0];
	s17 =	simm.s32 $0x300;
	[tilespmem:s14+$0xFFFFFF30] =	vst v8  }
.LBB2_19:
0x23f: {  	v5 =	vld [tilespmem:s17+$0xC0];
	s15 =	sadd.s32 $0x8, s15;
	[tilespmem:s14+$0xFFFFFFB0] =	vst v0  }
0x240: {  	v0 =	vld [tilespmem:s17+$0xFFFFFF40];
	p0 =	slt.u32 s15, $0xC0;
	[tilespmem:s14+$0xFFFFFFF0] =	vst v1  }
0x241: {  	v1 =	vld [tilespmem:s17+$0xFFFFFF80];
	[tilespmem:s14+$0x30] =	vst v2  }
0x242: {  	v2 =	vld [tilespmem:s17+$0xFFFFFFC0];
	[tilespmem:s14+$0x70] =	vst v3  }
0x243: {  	v3 =	vld [tilespmem:s17+$0x0];
	[tilespmem:s14+$0xB0] =	vst v4;
	s14 =	sadd.s32 $0x200, s14  }
0x244: {  	v4 =	vld [tilespmem:s17+$0x40];
	[tilespmem:s14+$0xC0] =	vst v5  }
0x245: {  	[tilespmem:s14+$0xFFFFFF40] =	vst v0;
	v0 =	vld [tilespmem:s17+$0xD0]  }
0x246: {  	[tilespmem:s14+$0xFFFFFF80] =	vst v1;
	v1 =	vld [tilespmem:s17+$0x80]  }
0x247: {  	v5 =	vld [tilespmem:s17+$0xFFFFFF00];
	[tilespmem:s14+$0xFFFFFFC0] =	vst v2  }
0x248: {  	v2 =	vld [tilespmem:s17+$0xFFFFFF50];
	[tilespmem:s14+$0x0] =	vst v3  }
0x249: {  	v3 =	vld [tilespmem:s17+$0xFFFFFF90];
	[tilespmem:s14+$0x40] =	vst v4  }
0x24a: {  	v4 =	vld [tilespmem:s17+$0xFFFFFFD0];
	[tilespmem:s14+$0xD0] =	vst v0  }
0x24b: {  	[tilespmem:s14+$0x80] =	vst v1;
	v0 =	vld [tilespmem:s17+$0xE0]  }
0x24c: {  	[tilespmem:s14+$0xFFFFFF00] =	vst v5;
	v1 =	vld [tilespmem:s17+$0x10]  }
0x24d: {  	v5 =	vld [tilespmem:s17+$0xFFFFFF10];
	[tilespmem:s14+$0xFFFFFF50] =	vst v2  }
0x24e: {  	[tilespmem:s14+$0xFFFFFF90] =	vst v3;
	v2 =	vld [tilespmem:s17+$0x50]  }
0x24f: {  	[tilespmem:s14+$0xFFFFFFD0] =	vst v4;
	v3 =	vld [tilespmem:s17+$0x90]  }
0x250: {  	v4 =	vld [tilespmem:s17+$0xFFFFFF60];
	[tilespmem:s14+$0xE0] =	vst v0  }
0x251: {  	[tilespmem:s14+$0x10] =	vst v1;
	v0 =	vld [tilespmem:s17+$0xF0]  }
0x252: {  	[tilespmem:s14+$0xFFFFFF10] =	vst v5;
	v1 =	vld [tilespmem:s17+$0xFFFFFFA0]  }
0x253: {  	v5 =	vld [tilespmem:s17+$0xFFFFFF20];
	[tilespmem:s14+$0x50] =	vst v2  }
0x254: {  	v2 =	vld [tilespmem:s17+$0xFFFFFFE0];
	[tilespmem:s14+$0x90] =	vst v3  }
0x255: {  	[tilespmem:s14+$0xFFFFFF60] =	vst v4;
	v3 =	vld [tilespmem:s17+$0x20]  }
0x256: {  	v4 =	vld [tilespmem:s17+$0x60];
	[tilespmem:s14+$0xF0] =	vst v0  }
0x257: {  	[tilespmem:s14+$0xFFFFFFA0] =	vst v1;
	v6 =	vld [tilespmem:s17+$0xA0]  }
0x258: {  	[tilespmem:s14+$0xFFFFFF20] =	vst v5;
	v5 =	vld [tilespmem:s17+$0xFFFFFF70]  }
0x259: {  	v7 =	vld [tilespmem:s17+$0xFFFFFF30];
	[tilespmem:s14+$0xFFFFFFE0] =	vst v2  }
.Ltmp13:
0x25a: {  	v0 =	vld [tilespmem:s17+$0xFFFFFFB0];
	[tilespmem:s14+$0x20] =	vst v3;
	(pc) =	sbr.rel @p0 .LBB2_19-.Ltmp13, $4  }
0x25b: {  	v1 =	vld [tilespmem:s17+$0xFFFFFFF0];
	[tilespmem:s14+$0x60] =	vst v4  }
0x25c: {  	v2 =	vld [tilespmem:s17+$0x30];
	[tilespmem:s14+$0xA0] =	vst v6  }
0x25d: {  	[tilespmem:s14+$0xFFFFFF70] =	vst v5;
	v3 =	vld [tilespmem:s17+$0x70]  }
0x25e: {  	[tilespmem:s14+$0xFFFFFF30] =	vst v7;
	v4 =	vld [tilespmem:s17+$0xB0];
	s17 =	sadd.s32 $0x200, s17  }
0x25f: {  	[tilespmem:s14+$0xFFFFFFB0] =	vst v0  }
0x260: {  	[tilespmem:s14+$0xFFFFFFF0] =	vst v1  }
0x261: {  	[tilespmem:s14+$0x30] =	vst v2  }
0x262: {  	[tilespmem:s14+$0x70] =	vst v3  }
0x263: {  	[tilespmem:s14+$0xB0] =	vst v4  }
0x264: {  	_ =	swait.ge [sflag:s29], $0xC8  }
0x265: {  	[sflag:s29] =	ssyncset.done $0x0  }
0x266: {  	s20 =	rddreg [dreg:$0xa];
	[sflag:s29] =	ssyncadd.s32 $0xFFFFFF38  }
0x267: {  	[tilespmem:s30], [sflag:$0x7] =	stream.indirect.gather.add.f32 [hbm:s6], $0x40, s21, s24, $0xb8;
	[tilespmem:$0xFD20] =	vst v63  }
.Ltmp14:
0x268: {  	s13 =	sadd.s32 s13, s20;
	(pc) =	sbr.rel .LBB2_21-.Ltmp14, $4  }
0x269: {  	s13 =	smul.u32 $0x19, s13;
	_ =	swait.ge [sflag:s10], $0x3200  }
0x26a: {  	[sflag:s10] =	ssyncset.done $0x0  }
0x26b: {  	s13 =	sadd.s32 s5, s13;
	[sflag:s10] =	ssyncadd.s32 $0xFFFFCE00  }
0x26c: {  	[tilespmem:s22], [sflag:$0x4] =	stream.linear.gather [hbm4b:s13+s3], $0xC8, $0x38;
	[tilespmem:$0xFD20] =	vst v63  }
.LBB2_23:
0x26d: {  	_ =	sfence.sel $0x180000  }
0x26e: {  	[bflag:$0x0] =	sbarrier.arrive $0xFFFF  }
0x26f: {  	_ =	strace $0x90000047  }
0x270: {  	s0 =	stileid.u32;
	[bflag:$0x2] =	sbarrier.arrive $0xFFFF  }
0x271: {  	p0 =	sne.s32 s0, $0x0;
	s0 =	rddreg [dreg:$0x2]  }
0x272: {  	s0 =	sadd.s32 @!p0 $0x100000, s0  }
0x273: {  	[sflag:s0] =	ssyncadd.tile.s32 @!p0 $0x1;
	_ =	shalt  }
.Lfunc_end2:
_tile_overlayer_lowered:
.L_overlay_start_2:
0x274: {  	(tag) =	ssettag $0x2  }
0x275: {  	s0 =	rddreg [dreg:$0x0];
	s2 =	stileid.u32  }
0x276: {  	s1 =	rddreg [dreg:$0x1];
	p0 =	sne.s32 s2, $0x0  }
0x277: {  	s3 =	rddreg [dreg:$0x2];
	[bflag:$0x3] =	sbarrier.arrive $0xFFFF;
	s2 =	simm.s32 @!p0 $0x1C0D  }
0x278: {  	[timem:s3], [sflag:s2] =	dma.local @!p0 [hbm:s0], s1  }
0x279: {  	s0 =	simm.s32 @!p0 $0xD  }
0x27a: {  	_ =	swait.ge @!p0 [sflag:s0], s1  }
0x27b: {  	s1 =	ssub.s32 @!p0 $0x0, s1;
	[sflag:s0] =	ssyncset.done @!p0 $0x0  }
0x27c: {  	[sflag:s0] =	ssyncadd.s32 @!p0 s1  }
0x27d: {  	[bflag:$0x3] =	sbarrier.arrive $0xFFFF  }
0x27e: {  	_ =	shalt  }

// kernel: sparse-core-data-format-call.cloned.1.call-start
scs
called_computation_lowered:
.L_overlay_start_0:
0x0: {  	s2 =	sld [smem:$0x3FD9]  }
0x1: {  	s3 =	sld [smem:$0x3FFE];
	_ =	sdelay $0x1  }
0x2: {  	s1 =	srdreg.scid  }
0x3: {  	s0 =	sand.u32 $0x1, s1  }
0x4: {  	s18 =	sshll.u32 s0, $0xA;
	s2 =	sadd.s32 s3, s2  }
0x5: {  	s2 =	sadd.s32 s2, s18  }
0x6: {  	[smem:$0x3FC5] =	sst s2  }
0x7: {  	_ = 	snop  }
0x8: {  	s2 =	sld [smem:$0x3FD0];
	(tm) =	ssettm $0x1  }
0x9: {  	s19 =	sld [smem:$0x3FFB];
	_ =	sdelay $0x3  }
0xa: {  	_ =	strace s19  }
0xb: {  	s3 =	sld [smem:$0x3FFC];
	_ =	sdelay $0x3  }
0xc: {  	_ =	strace s3  }
0xd: {  	s3 =	sld [smem:$0x3FFD];
	_ =	sdelay $0x3  }
0xe: {  	_ =	strace s3  }
0xf: {  	_ =	strace $0x8FFFFFFF  }
0x10: {  	s20 =	sld [smem:$0x3FDB];
	_ =	sdelay $0x1  }
0x11: {  	s4 =	simm.s32 $_scs_section_size  }
0x12: {  	s5 =	simm.s32 $_size__tile_overlayer_lowered;
	s6 =	simm.s32 $_tile_overlayer_lowered  }
0x13: {  	s23 =	simm.s32 $0x1BFF;
	s22 =	sshll.u32 s6, $0x1;
	s3 =	sadd.s32 s4, s20  }
0x14: {  	s7 =	simm.s32 $0x0;
	s21 =	sshll.u32 s5, $0x1;
	s5 =	sadd.s32 s22, s3  }
0x15: {  	[timem:s7], [sflag:s23] =	dma.local [hbm:s5], s21  }
0x16: {  	_ =	swait.ge [sflag:s23], s21  }
0x17: {  	s4 =	ssub.s32 $0x0, s21;
	[sflag:s23] =	ssyncset.done $0x0  }
0x18: {  	[sflag:s23] =	ssyncadd.s32 s4;
	_ =	sdelay $0x1  }
0x19: {  	s24 =	simm.s32 $0x1B8B  }
0x1a: {  	_ =	swait.ge [sflag:s24], $0x1  }
0x1b: {  	[sflag:s24] =	ssyncset.done $0x0  }
0x1c: {  	s26 =	simm.s32 $0x1B8E;
	s25 =	sld [smem:$0x3FFE];
	[sflag:s24] =	ssyncadd.s32 $0xFFFFFFFF  }
0x1d: {  	s27 =	simm.s32 $execute0_lowered;
	[smem:$0x3FD2] =	sst s26  }
0x1e: {  	s5 =	sshll.u32 s27, $0x1;
	_ =	strace $0x80000049;
	[dreg:$0x1] =	wrdreg $0xFFFFFFFF  }
0x1f: {  	s28 =	simm.s32 $_size_execute0_lowered;
	s3 =	sadd.s32 s3, s5;
	[dreg:$0x0] =	wrdreg $0x0  }
0x20: {  	s5 =	sshll.u32 s28, $0x1;
	[dreg:$0x2] =	wrdreg s3  }
0x21: {  	[dreg:$0x3] =	wrdreg s5  }
0x22: {  	[dreg:$0x4] =	wrdreg $0xC0  }
0x23: {  	_ =	task [dreg:s7], $0x5FFFF  }
0x24: {  	[dreg:$0x1] =	wrdreg $0xFFFFFFFF  }
0x25: {  	[dreg:$0x0] =	wrdreg $0x60  }
0x26: {  	[dreg:$0x2] =	wrdreg s25  }
0x27: {  	[dreg:$0x3] =	wrdreg s2  }
0x28: {  	[dreg:$0x4] =	wrdreg $0x9  }
0x29: {  	_ =	task.clear_ibuf [dreg:s7], $0x5FFFF;
	_ =	strace $0x90000049  }
0x2a: {  	s29 =	simm.s32 $0x9;
	_ =	strace $0x8000004B  }
0x2b: {  	_ =	swait.ge [sflag:s29], $0x1  }
0x2c: {  	[sflag:s29] =	ssyncadd.s32 $0xFFFFFFFF  }
0x2d: {  	_ =	strace $0x9000004B  }
0x2e: {  	_ =	sfence  }
0x2f: {  	s30 =	sld [smem:$0x0];
	_ =	sdelay $0x2  }
0x30: {  	s31 =	sshll.u32 s1, $0xD;
	s1 =	sshrl.u32 s1, $0x2  }
0x31: {  	s3 =	sand.u32 $0x4000, s31;
	s1 =	sadd.s32 s1, s30  }
0x32: {  	s0 =	sor.u32 s3, s0;
	s1 =	sshll.u32 s1, $0x11  }
0x33: {  	s0 =	sor.u32 s1, s0  }
0x34: {  	s0 =	sadd.s32 $0x8F2B, s0  }
0x35: {  	[sflag:s0] =	ssyncadd.remote.s32 $0x1  }
0x36: {  	_ =	sfence.sel $0xFFFF  }
0x37: {  	[dreg:$0x0] =	wrdreg $0xFFFFFFFF;
	(pc) =	sbr.abs _section_cstart, $3  }
0x38: {  	[dreg:$0x1] =	wrdreg $0xFFFFFFFF  }
0x39: {  	_ =	task.clear_ibuf [dreg:s7], $0x2FFFF;
	_ =	strace $0x9FFFFFFF  }
0x3a: {  	(tm) =	ssettm $0x7FFFFFFF  }
0x3b: {  	_ =	shalt  }
tec
execute0_lowered:
.L_overlay_start_1:
0x0: {  	(tag) =	ssettag $0x1  }
0x1: {  	s0 =	srdreg.scid  }
0x2: {  	s1 =	sshll.u32 s0, $0x4  }
0x3: {  	s0 =	stileid.u32;
	s1 =	sand.u32 $0x10, s1  }
0x4: {  	s1 =	sor.u32 s0, s1  }
0x5: {  	s6 =	rddreg [dreg:$0x0];
	s4 =	simm.s32 $0x1;
	s2 =	sshll.u32 s1, $0x7  }
0x6: {  	s7 =	simm.s32 $0x2;
	s12 =	simm.s32 $0x0;
	s1 =	ssub.s32 $0x1000, s2  }
0x7: {  	s8 =	simm.s32 $0x8000;
	s13 =	simm.s32 $0x0;
	s3 =	sand.u32 $0xF80, s1  }
0x8: {  	s9 =	simm.s32 $0x0;
	s5 =	sshrl.u32 s1, $0xC;
	p0 =	sne.s32 s3, $0x0  }
.Ltmp0:
0x9: {  	s1 =	rddreg [dreg:$0x2];
	s4 =	simm.s32 @!p0 $0x0;
	(pc) =	sbr.rel .LBB1_1-.Ltmp0, $4  }
0xa: {  	s11 =	simm.s32 $0x0;
	s3 =	rddreg [dreg:$0x1];
	s5 =	sadd.s32 s4, s5  }
0xb: {  	_ =	strace $0x8000004A;
	s4 =	simm.s32 $0x1;
	s5 =	smul.u32 $0xC8, s5  }
0xc: {  	s6 =	sadd.s32 $0xC00, s6;
	s10 =	smov.u32 s2;
	[sflag:s4] =	ssyncpa.u1 $0x0  }
0xd: {  	p0 =	por $0x0, $0x0;
	[sflag:s7] =	ssyncpa.u1 $0x0;
	s7 =	sor.u32 $0x1, s5  }
.LBB1_4:
0xe: {  	s16 =	sshll.u32 s13, $0x3;
	s17 =	sand.u32 $0x78, s13  }
0xf: {  	s30 =	sand.u32 $0x7E00, s13;
	s12 =	sshll.u32 s12, $0xF;
	s16 =	sand.u32 $0xC00, s16  }
0x10: {  	[tilespmem:s15+$0x810 ss:$0x81] =	vst.msk $0xffff, v2;
	s31 =	sand.u32 $0x7, s13;
	s16 =	sor.u32 s17, s16;
	s17 =	sadd.s32 s3, s30  }
0x11: {  	[tilespmem:s15+$0x1020 ss:$0x81] =	vst.msk $0xffff, v0;
	s13 =	sshll.u32 s31, $0x12;
	s12 =	sadd.s32 s12, s17;
	s16 =	sshrl.u32 s16, $0x3  }
0x12: {  	[tilespmem:s15+$0x0 ss:$0x81] =	vst.msk $0xffff, v1;
	s13 =	sor.u32 $0x400, s13;
	s12 =	sadd.s32 s16, s12  }
0x13: {  	[hbm4b:s12+s13] =	stream.strided.scatter [tilespmem:s14], [sflag:$0x2], $0x2000, s8, s13, $0x20;
	[tilespmem:$0x8080] =	vst v63  }
.LBB1_5:
0x14: {  	s14 =	sadd.s32 $0x1, s9  }
0x15: {  	s12 =	sadd.s32 $0x1000, s10;
	s16 =	smov.u32 s10;
	p2 =	sgt.s32 s14, $0xC7  }
0x16: {  	s16 =	smov.u32 @p2 s12  }
0x17: {  	s14 =	simm.s32 @p2 $0x0;
	p2 =	sgt.s32 s16, $0xFFF  }
0x18: {  	s16 =	smov.u32 @p2 s2;
	p2 =	sne.s32 s11, s7  }
.Ltmp1:
0x19: {  	p1 =	slt.u32 s11, $0x2;
	(pc) =	sbr.rel @!p2 .LBB1_6-.Ltmp1, $4  }
0x1a: {  	s15 =	simm.s32 @!p1 $0x2  }
0x1b: {  	s13 =	smov.u32 s10;
	p0 =	por !p0, !p0;
	_ =	swait.ge @!p1 [sflag:s15], $0x2000  }
0x1c: {  	s12 =	smov.u32 s9;
	[sflag:s15] =	ssyncset.done @!p1 $0x0;
	s9 =	smov.u32 s14  }
0x1d: {  	s11 =	sadd.s32 $0x1, s11;
	[sflag:s15] =	ssyncadd.s32 @!p1 $0xFFFFE000;
	s10 =	smov.u32 s16  }
.LBB1_1:
0x1e: {  	p1 =	sge.u32 s11, s5  }
0x1f: {  	s14 =	sand.u32 @!p1 $0x1FFFFFF, s9  }
0x20: {  	s15 =	smulhi.u32 @!p1 $0x147AE15, s14;
	_ =	sdelay $0x1  }
0x21: {  	s15 =	smul.u32 @!p1 $0xC8, s15  }
0x22: {  	s16 =	sxor.u32 @!p1 $0xFFFFFFFF, s11;
	s17 =	smul.u32 @!p1 $0xC80, s10  }
0x23: {  	s31 =	sadd.s32 $0xFFFFFFFF, s11;
	s16 =	sshll.u32 @!p1 s16, $0xD;
	s14 =	ssub.s32 @!p1 s14, s15  }
0x24: {  	s15 =	sand.u32 @!p1 $0x2000, s16;
	s16 =	sadd.s32 @!p1 s6, s17;
	s14 =	sshll.u32 @!p1 s14, $0x4  }
0x25: {  	s17 =	simm.s32 @!p1 $0x6400;
	s14 =	sadd.s32 @!p1 s14, s16;
	s16 =	simm.s32 @!p1 $0x40  }
0x26: {  	[tilespmem:s15], [sflag:$0x1] =	stream.strided.gather @!p1 [hbm4b:s14+s16], $0x2000, s17, s16, $0x38;
	[tilespmem:$0x8080] =	vst v63  }
0x27: {  	p1 =	sge.u32 s31, s5  }
.Ltmp2:
0x28: {  	_ = 	snop;
	(pc) =	sbr.rel @p1 .LBB1_5-.Ltmp2, $1  }
0x29: {  	_ =	sdelay $0x3  }
0x2a: {  	s14 =	simm.s32 $0x1  }
0x2b: {  	_ =	swait.ge [sflag:s4], $0x2000;
	s14 =	simm.s32 @!p0 $0x0  }
0x2c: {  	[sflag:s4] =	ssyncset.done $0x0;
	s15 =	sshll.u32 s14, $0xD  }
0x2d: {  	[sflag:s4] =	ssyncadd.s32 $0xFFFFE000;
	s18 =	sor.u32 $0x20, s15  }
0x2e: {  	s14 =	smul.u32 $0x8100, s14;
	v3 =	vld [tilespmem:s18+$0x10]  }
0x2f: {  	s30 =	sand.u32 $0x1, s11;
	v2 =	vld [tilespmem:s18+$0xFFFFFFF0]  }
0x30: {  	s15 =	smul.u32 $0x8100, s30;
	s14 =	sshrl.u32 s14, $0x2;
	v0 =	vld [tilespmem:s18+$0x0]  }
0x31: {  	v1 =	vld [tilespmem:s18+$0xFFFFFFE0];
	s16 =	sor.u32 $0x4000, s14  }
0x32: {  	s31 =	sshrl.u32 s15, $0x2;
	s15 =	sadd.s32 $0x0, s16  }
0x33: {  	s17 =	simm.s32 $0x4;
	s18 =	sadd.s32 $0x40, s18;
	s14 =	sor.u32 $0x4000, s31;
	[tilespmem:s15+$0x1830 ss:$0x81] =	vst.msk $0xffff, v3  }
.LBB1_3:
0x34: {  	v3 =	vld [tilespmem:s18+$0x10];
	p1 =	sne.s32 s17, $0x1FC;
	[tilespmem:s15+$0x810 ss:$0x81] =	vst.msk $0xffff, v2;
	s19 =	smov.u32 s17;
	s17 =	sadd.s32 $0x4, s17  }
.Ltmp3:
0x35: {  	v2 =	vld [tilespmem:s18+$0xFFFFFFF0];
	[tilespmem:s15+$0x1020 ss:$0x81] =	vst.msk $0xffff, v0;
	(pc) =	sbr.rel @p1 .LBB1_3-.Ltmp3, $4  }
0x36: {  	v0 =	vld [tilespmem:s18+$0x0];
	[tilespmem:s15+$0x0 ss:$0x81] =	vst.msk $0xffff, v1  }
0x37: {  	s15 =	sshra.s32 s19, $0x2;
	v1 =	vld [tilespmem:s18+$0xFFFFFFE0]  }
0x38: {  	s15 =	sadd.s32 s15, s16  }
0x39: {  	s18 =	sadd.s32 $0x40, s18;
	[tilespmem:s15+$0x1830 ss:$0x81] =	vst.msk $0xffff, v3  }
.Ltmp4:
0x3a: {  	_ = 	snop;
	(pc) =	sbr.rel .LBB1_4-.Ltmp4, $1  }
0x3b: {  	_ =	sdelay $0x3  }
.LBB1_6:
0x3c: {  	_ =	sfence.sel $0x180000  }
0x3d: {  	s2 =	simm.s32 $0x1;
	[bflag:$0x0] =	sbarrier.arrive $0xFFFF  }
0x3e: {  	s31 =	simm.s32 $0x2;
	[sflag:s2] =	ssyncpa.u1 $0x1  }
0x3f: {  	[sflag:s31] =	ssyncpa.u1 $0x1  }
0x40: {  	p0 =	sne.s32 s0, $0x0;
	_ =	strace $0x9000004A  }
0x41: {  	s0 =	sadd.s32 @!p0 $0x100000, s1;
	[bflag:$0x2] =	sbarrier.arrive $0xFFFF  }
0x42: {  	[sflag:s0] =	ssyncadd.tile.s32 @!p0 $0x1;
	_ =	shalt  }
.Lfunc_end1:
_tile_overlayer_lowered:
.L_overlay_start_2:
0x43: {  	(tag) =	ssettag $0x2  }
0x44: {  	s0 =	rddreg [dreg:$0x0];
	s2 =	stileid.u32  }
0x45: {  	s1 =	rddreg [dreg:$0x1];
	p0 =	sne.s32 s2, $0x0  }
0x46: {  	s3 =	rddreg [dreg:$0x2];
	[bflag:$0x3] =	sbarrier.arrive $0xFFFF;
	s2 =	simm.s32 @!p0 $0x1C01  }
0x47: {  	[timem:s3], [sflag:s2] =	dma.local @!p0 [hbm:s0], s1  }
0x48: {  	s0 =	simm.s32 @!p0 $0x1  }
0x49: {  	_ =	swait.ge @!p0 [sflag:s0], s1  }
0x4a: {  	s1 =	ssub.s32 @!p0 $0x0, s1;
	[sflag:s0] =	ssyncset.done @!p0 $0x0  }
0x4b: {  	[sflag:s0] =	ssyncadd.s32 @!p0 s1  }
0x4c: {  	[bflag:$0x3] =	sbarrier.arrive $0xFFFF  }
0x4d: {  	_ =	shalt  }

</sc_bundles>
